<compile_context>
chip_gen: v7x
topology: tpu7x:2x2x1
jax: 0.10.2.dev20260603
libtpu: 0.0.44.dev20260713+nightly
codegen_flags: <defaults>
</compile_context>

<pallas_src>
import jax
import jax.numpy as jnp
from jax import lax
from jax.experimental import pallas as pl
from jax.experimental.pallas import tpu as pltpu
from jax.experimental.pallas import tpu_sc as plsc

_B = 64
_T = 8192
_C = 16
_NW = 32
_CH = 1024
_SLW = _CH + 256
_CHUNKS_PB = _T // _CH
_TASKS = _B * _CHUNKS_PB
_TASKS_PW = _TASKS // _NW


def _task_params(wid, k):
    task = wid * _TASKS_PW + k
    b = task // _CHUNKS_PB
    cs = pl.multiple_of((task % _CHUNKS_PB) * _CH, _CH)
    ss = pl.multiple_of(jnp.clip(cs - 128, 0, _T - _SLW), 128)
    return b, cs, ss


def _compute_task(wid, k, sig_v, out_v, wcs, bias):
    _, cs, ss = _task_params(wid, k)
    lb = cs - ss

    def blk(i, carry):
        tl = lb + i * 16
        acc = sig_v[0, pl.ds(tl, 16)] * wcs[0]
        for c in range(1, _C):
            acc = acc + sig_v[c, pl.ds(tl, 16)] * wcs[c]
        z = acc + bias
        e = jnp.exp(z * 2.0)
        d = jnp.where(jnp.abs(z) < 0.0009765625,
                      z * (1.0 - z * z * (1.0 / 3.0)),
                      1.0 - 2.0 / (e + 1.0))

        tvec = (lax.iota(jnp.int32, 16) + (cs + i * 16)).astype(jnp.float32)
        x = tvec + d
        xi = x.astype(jnp.int32)
        xif = xi.astype(jnp.float32)
        x0u = jnp.where(xif > x, xi - 1, xi)
        x1u = x0u + 1
        x0c = jnp.clip(x0u, 0, _T - 1)
        x1c = jnp.clip(x1u, 0, _T - 1)
        w0 = x1c.astype(jnp.float32) - x
        w1 = x - x0c.astype(jnp.float32)
        pos0 = x0c - ss
        pos1 = x1c - ss

        o0 = i * 16
        for c in range(_C):
            cvec = jnp.full((16,), c, jnp.int32)
            v0 = plsc.load_gather(sig_v, [cvec, pos0])
            v1 = plsc.load_gather(sig_v, [cvec, pos1])
            out_v[c, pl.ds(o0, 16)] = w0 * v0 + w1 * v1
        return carry

    lax.fori_loop(0, _CH // 16, blk, 0)


def _sc_body(xt_ref, wcb_ref, out_hbm,
             sig0, sig1, out0, out1, wc_v,
             sin0, sin1, sout0, sout1, swc):
    wid = lax.axis_index("s") * 2 + lax.axis_index("c")

    pltpu.async_copy(wcb_ref, wc_v, swc).wait()
    wcs = [wc_v[c, :] for c in range(_C)]
    bias = wc_v[_C, :]

    sigs = (sig0, sig1)
    outs = (out0, out1)
    sins = (sin0, sin1)
    souts = (sout0, sout1)

    def in_copy(k, u):
        b, _, ss = _task_params(wid, k)
        return pltpu.make_async_copy(
            xt_ref.at[b, :, pl.ds(ss, _SLW)], sigs[u], sins[u])

    def out_copy(k, u):
        b, cs, _ = _task_params(wid, k)
        return pltpu.make_async_copy(
            outs[u], out_hbm.at[b, :, pl.ds(cs, _CH)], souts[u])

    in_copy(0, 0).start()

    def outer(j, carry):
        for u in (0, 1):
            k = j * 2 + u
            in_copy(k, u).wait()
            if u == 0:
                in_copy(k + 1, 1).start()
            else:
                @pl.when(j < _TASKS_PW // 2 - 1)
                def _():
                    in_copy(k + 1, 0).start()

            @pl.when(j > 0)
            def _():
                out_copy(k - 2, u).wait()

            _compute_task(wid, k, sigs[u], outs[u], wcs, bias)
            out_copy(k, u).start()
        return carry

    lax.fori_loop(0, _TASKS_PW // 2, outer, 0)
    out_copy(_TASKS_PW - 2, 0).wait()
    out_copy(_TASKS_PW - 1, 1).wait()


def kernel(X, Wc, b):
    B, T, C = X.shape
    XT = X.transpose(0, 2, 1)
    wcb = jnp.zeros((24, 16), jnp.float32)
    wcb = wcb.at[:C, :].set(jnp.broadcast_to(Wc, (C, 16)))
    wcb = wcb.at[C, :].set(b[0])

    mesh = plsc.VectorSubcoreMesh(core_axis_name="c", subcore_axis_name="s")
    sc = pl.kernel(
        _sc_body,
        mesh=mesh,
        compiler_params=pltpu.CompilerParams(needs_layout_passes=False),
        out_type=jax.ShapeDtypeStruct((B, C, T), jnp.float32),
        scratch_types=[
            pltpu.VMEM((_C, _SLW), jnp.float32),
            pltpu.VMEM((_C, _SLW), jnp.float32),
            pltpu.VMEM((_C, _CH), jnp.float32),
            pltpu.VMEM((_C, _CH), jnp.float32),
            pltpu.VMEM((24, 16), jnp.float32),
            pltpu.SemaphoreType.DMA,
            pltpu.SemaphoreType.DMA,
            pltpu.SemaphoreType.DMA,
            pltpu.SemaphoreType.DMA,
            pltpu.SemaphoreType.DMA,
        ],
    )
    out = sc(XT, wcb)
    return out.transpose(0, 2, 1)

# --- scband reference (transcript-rebuilt; emitter-appended) ---
"""Pipeline reference for scband-resample-multi-channel-64630667870588 (READ-ONLY COPY).

The authoritative reference and input builder live on the scoring server;
editing this copy changes nothing except your own understanding.
"""

import jax, jax.numpy as jnp
import numpy as np

OUT_T = 8192
OUT_C = 16


def setup_inputs(seed: int = 0) -> dict:
    key = jax.random.key(seed)
    k1, k2 = jax.random.split(key)
    X = jax.random.normal(k1, (64, 8192, 16), dtype=jnp.float32)
    # localization_net parameters: pointwise dense over channels -> scalar
    # deformation per timestep, squashed with tanh so displacements stay small.
    Wc = jax.random.normal(k2, (16, 1), dtype=jnp.float32) * 0.1
    b = jnp.zeros((1,), dtype=jnp.float32)
    return {"X": X, "Wc": Wc, "b": b}


def reference(X, Wc, b):
    B, T, C = X.shape
    # locnet.call(X): pointwise dense + tanh -> (B, T, 1) displacement field.
    # Requires OUT_T == T so deformation broadcasts against the sampling grid,
    # matching output_size[0] == input time length in this configuration.
    deformation = jnp.tanh(jnp.einsum('btc,co->bto', X, Wc) + b)  # (B, T, 1)

    # _meshgrid + tile: linspace over input time axis, one grid per batch elem.
    grid = jnp.linspace(0.0, float(T - 1), OUT_T)            # (OUT_T,)
    grid = jnp.tile(grid, (B,)).reshape(B, OUT_T)            # (B, OUT_T)

    # _transform: shift grid by learned deformation.
    transformed_grid = grid[:, :, None] + deformation        # (B, OUT_T, 1)
    x = transformed_grid.reshape(-1)                         # (B*OUT_T,)

    # _interpolate: linear interpolation via two gathers on flattened signal.
    x0 = jnp.floor(x).astype(jnp.int32)
    x1 = x0 + 1
    max_x = T - 1
    x0 = jnp.clip(x0, 0, max_x)
    x1 = jnp.clip(x1, 0, max_x)

    # _repeat(pts_batch, OUT_T): per-sample base offset into flattened signal.
    base = jnp.repeat(jnp.arange(B, dtype=jnp.int32) * T, OUT_T)
    ind_0 = base + x0
    ind_1 = base + x1

    flat_signal = X.reshape(-1, C)                           # (B*T, C)
    pts_values_0 = jnp.take(flat_signal, ind_0, axis=0)      # gather
    pts_values_1 = jnp.take(flat_signal, ind_1, axis=0)      # gather

    x0f = x0.astype(jnp.float32)
    x1f = x1.astype(jnp.float32)
    w_0 = (x1f - x)[:, None]
    w_1 = (x - x0f)[:, None]
    output = w_0 * pts_values_0 + w_1 * pts_values_1
    return output.reshape(-1, OUT_T, OUT_C)

if __name__ == "__main__":
    import jax
    _d = setup_inputs()
    print(jax.jit(kernel)(*tuple(_d.values())))

</pallas_src>

<mosaic_0001>
#map = affine_map<(d0, d1) -> (0, 0, 0)>
#map1 = affine_map<(d0, d1) -> (0, 0)>
module attributes {stable_mosaic.version = 14 : i64} {
  func.func @_sc_body(%arg0: i32, %arg1: i32, %arg2: memref<64x16x8192xf32, #tpu.memory_space<hbm>>, %arg3: memref<24x16xf32, #tpu.memory_space<hbm>>, %arg4: memref<64x16x8192xf32, #tpu.memory_space<hbm>>, %arg5: memref<16x1280xf32, #tpu.memory_space<vmem>>, %arg6: memref<16x1280xf32, #tpu.memory_space<vmem>>, %arg7: memref<16x1024xf32, #tpu.memory_space<vmem>>, %arg8: memref<16x1024xf32, #tpu.memory_space<vmem>>, %arg9: memref<24x16xf32, #tpu.memory_space<vmem>>, %arg10: memref<!tpu.dma_semaphore, #tpu.memory_space<semaphore_mem>>, %arg11: memref<!tpu.dma_semaphore, #tpu.memory_space<semaphore_mem>>, %arg12: memref<!tpu.dma_semaphore, #tpu.memory_space<semaphore_mem>>, %arg13: memref<!tpu.dma_semaphore, #tpu.memory_space<semaphore_mem>>, %arg14: memref<!tpu.dma_semaphore, #tpu.memory_space<semaphore_mem>>) attributes {dimension_semantics = [#tpu.dimension_semantics<core_parallel>, #tpu.dimension_semantics<subcore_parallel>], iteration_bounds = array<i64: 2, 16>, scalar_prefetch = 0 : i64, scratch_operands = 10 : i64, tpu.core_type = #tpu.core_type<sc_vector_subcore>, window_params = [{transform_indices = #map}, {transform_indices = #map1}, {transform_indices = #map}]} {
    %mul3A = arith.constant 2 : i32
    %mul3A_0 = arith.muli %arg1, %mul3A : i32
    %add3A = arith.addi %mul3A_0, %arg0 : i32
    tpu.enqueue_dma source(%arg3 : memref<24x16xf32, #tpu.memory_space<hbm>>) target(%arg9 : memref<24x16xf32, #tpu.memory_space<vmem>>) target_semaphore(%arg14 : memref<!tpu.dma_semaphore, #tpu.memory_space<semaphore_mem>>)
    tpu.wait_dma2 semaphore(%arg14 : memref<!tpu.dma_semaphore, #tpu.memory_space<semaphore_mem>>) src(%arg3 : memref<24x16xf32, #tpu.memory_space<hbm>>) dst(%arg9 : memref<24x16xf32, #tpu.memory_space<vmem>>)
    %get3A = arith.constant 0 : i32
    %get3A_1 = arith.index_cast %get3A : i32 to index
    %get3A_2 = arith.constant 0 : index
    %get3A_3 = tpu.vector_load %arg9[%get3A_1, %get3A_2] {strides = array<i32>} : memref<24x16xf32, #tpu.memory_space<vmem>>, vector<16xf32>,
    %get3A_4 = arith.constant 1 : i32
    %get3A_5 = arith.index_cast %get3A_4 : i32 to index
    %get3A_6 = arith.constant 0 : index
    %get3A_7 = tpu.vector_load %arg9[%get3A_5, %get3A_6] {strides = array<i32>} : memref<24x16xf32, #tpu.memory_space<vmem>>, vector<16xf32>,
    %get3A_8 = arith.constant 2 : i32
    %get3A_9 = arith.index_cast %get3A_8 : i32 to index
    %get3A_10 = arith.constant 0 : index
    %get3A_11 = tpu.vector_load %arg9[%get3A_9, %get3A_10] {strides = array<i32>} : memref<24x16xf32, #tpu.memory_space<vmem>>, vector<16xf32>,
    %get3A_12 = arith.constant 3 : i32
    %get3A_13 = arith.index_cast %get3A_12 : i32 to index
    %get3A_14 = arith.constant 0 : index
    %get3A_15 = tpu.vector_load %arg9[%get3A_13, %get3A_14] {strides = array<i32>} : memref<24x16xf32, #tpu.memory_space<vmem>>, vector<16xf32>,
    %get3A_16 = arith.constant 4 : i32
    %get3A_17 = arith.index_cast %get3A_16 : i32 to index
    %get3A_18 = arith.constant 0 : index
    %get3A_19 = tpu.vector_load %arg9[%get3A_17, %get3A_18] {strides = array<i32>} : memref<24x16xf32, #tpu.memory_space<vmem>>, vector<16xf32>,
    %get3A_20 = arith.constant 5 : i32
    %get3A_21 = arith.index_cast %get3A_20 : i32 to index
    %get3A_22 = arith.constant 0 : index
    %get3A_23 = tpu.vector_load %arg9[%get3A_21, %get3A_22] {strides = array<i32>} : memref<24x16xf32, #tpu.memory_space<vmem>>, vector<16xf32>,
    %get3A_24 = arith.constant 6 : i32
    %get3A_25 = arith.index_cast %get3A_24 : i32 to index
    %get3A_26 = arith.constant 0 : index
    %get3A_27 = tpu.vector_load %arg9[%get3A_25, %get3A_26] {strides = array<i32>} : memref<24x16xf32, #tpu.memory_space<vmem>>, vector<16xf32>,
    %get3A_28 = arith.constant 7 : i32
    %get3A_29 = arith.index_cast %get3A_28 : i32 to index
    %get3A_30 = arith.constant 0 : index
    %get3A_31 = tpu.vector_load %arg9[%get3A_29, %get3A_30] {strides = array<i32>} : memref<24x16xf32, #tpu.memory_space<vmem>>, vector<16xf32>,
    %get3A_32 = arith.constant 8 : i32
    %get3A_33 = arith.index_cast %get3A_32 : i32 to index
    %get3A_34 = arith.constant 0 : index
    %get3A_35 = tpu.vector_load %arg9[%get3A_33, %get3A_34] {strides = array<i32>} : memref<24x16xf32, #tpu.memory_space<vmem>>, vector<16xf32>,
    %get3A_36 = arith.constant 9 : i32
    %get3A_37 = arith.index_cast %get3A_36 : i32 to index
    %get3A_38 = arith.constant 0 : index
    %get3A_39 = tpu.vector_load %arg9[%get3A_37, %get3A_38] {strides = array<i32>} : memref<24x16xf32, #tpu.memory_space<vmem>>, vector<16xf32>,
    %get3A_40 = arith.constant 10 : i32
    %get3A_41 = arith.index_cast %get3A_40 : i32 to index
    %get3A_42 = arith.constant 0 : index
    %get3A_43 = tpu.vector_load %arg9[%get3A_41, %get3A_42] {strides = array<i32>} : memref<24x16xf32, #tpu.memory_space<vmem>>, vector<16xf32>,
    %get3A_44 = arith.constant 11 : i32
    %get3A_45 = arith.index_cast %get3A_44 : i32 to index
    %get3A_46 = arith.constant 0 : index
    %get3A_47 = tpu.vector_load %arg9[%get3A_45, %get3A_46] {strides = array<i32>} : memref<24x16xf32, #tpu.memory_space<vmem>>, vector<16xf32>,
    %get3A_48 = arith.constant 12 : i32
    %get3A_49 = arith.index_cast %get3A_48 : i32 to index
    %get3A_50 = arith.constant 0 : index
    %get3A_51 = tpu.vector_load %arg9[%get3A_49, %get3A_50] {strides = array<i32>} : memref<24x16xf32, #tpu.memory_space<vmem>>, vector<16xf32>,
    %get3A_52 = arith.constant 13 : i32
    %get3A_53 = arith.index_cast %get3A_52 : i32 to index
    %get3A_54 = arith.constant 0 : index
    %get3A_55 = tpu.vector_load %arg9[%get3A_53, %get3A_54] {strides = array<i32>} : memref<24x16xf32, #tpu.memory_space<vmem>>, vector<16xf32>,
    %get3A_56 = arith.constant 14 : i32
    %get3A_57 = arith.index_cast %get3A_56 : i32 to index
    %get3A_58 = arith.constant 0 : index
    %get3A_59 = tpu.vector_load %arg9[%get3A_57, %get3A_58] {strides = array<i32>} : memref<24x16xf32, #tpu.memory_space<vmem>>, vector<16xf32>,
    %get3A_60 = arith.constant 15 : i32
    %get3A_61 = arith.index_cast %get3A_60 : i32 to index
    %get3A_62 = arith.constant 0 : index
    %get3A_63 = tpu.vector_load %arg9[%get3A_61, %get3A_62] {strides = array<i32>} : memref<24x16xf32, #tpu.memory_space<vmem>>, vector<16xf32>,
    %get3A_64 = arith.constant 16 : i32
    %get3A_65 = arith.index_cast %get3A_64 : i32 to index
    %get3A_66 = arith.constant 0 : index
    %get3A_67 = tpu.vector_load %arg9[%get3A_65, %get3A_66] {strides = array<i32>} : memref<24x16xf32, #tpu.memory_space<vmem>>, vector<16xf32>,
    %mul3A_68 = arith.constant 16 : i32
    %mul3A_69 = arith.muli %add3A, %mul3A_68 : i32
    %add3A_70 = arith.constant 0 : i32
    %add3A_71 = arith.addi %mul3A_69, %add3A_70 : i32
    %jit3A = arith.constant 8 : i32
    %div3A = arith.divsi %add3A_71, %jit3A : i32
    %sign3A = arith.constant 0 : i32
    %sign3A_72 = arith.cmpi sgt, %add3A_71, %sign3A : i32
    %sign3A_73 = arith.extui %sign3A_72 : i1 to i32
    %sign3A_74 = arith.constant 0 : i32
    %sign3A_75 = arith.cmpi slt, %add3A_71, %sign3A_74 : i32
    %sign3A_76 = arith.extui %sign3A_75 : i1 to i32
    %sign3A_77 = arith.subi %sign3A_73, %sign3A_76 : i32
    %sign3A_78 = arith.constant 0 : i32
    %sign3A_79 = arith.cmpi sgt, %jit3A, %sign3A_78 : i32
    %sign3A_80 = arith.extui %sign3A_79 : i1 to i32
    %sign3A_81 = arith.constant 0 : i32
    %sign3A_82 = arith.cmpi slt, %jit3A, %sign3A_81 : i32
    %sign3A_83 = arith.extui %sign3A_82 : i1 to i32
    %sign3A_84 = arith.subi %sign3A_80, %sign3A_83 : i32
    %ne3A = arith.cmpi ne, %sign3A_77, %sign3A_84 : i32
    %rem3A = arith.remsi %add3A_71, %jit3A : i32
    %ne3A_85 = arith.constant 0 : i32
    %ne3A_86 = arith.cmpi ne, %rem3A, %ne3A_85 : i32
    %and3A = arith.andi %ne3A, %ne3A_86 : i1
    %sub3A = arith.constant 1 : i32
    %sub3A_87 = arith.subi %div3A, %sub3A : i32
    %select_n3A = arith.select %and3A, %sub3A_87, %div3A : i32
    %jit3A_88 = arith.constant 8 : i32
    %eq3A = arith.constant 0 : i32
    %eq3A_89 = arith.cmpi eq, %jit3A_88, %eq3A : i32
    %jit3A_90 = arith.constant 1 : i32
    %select_n3A_91 = arith.select %eq3A_89, %jit3A_90, %jit3A_88 : i32
    %rem3A_92 = arith.remsi %add3A_71, %select_n3A_91 : i32
    %ne3A_93 = arith.constant 0 : i32
    %ne3A_94 = arith.cmpi ne, %rem3A_92, %ne3A_93 : i32
    %lt3A = arith.constant 0 : i32
    %lt3A_95 = arith.cmpi slt, %rem3A_92, %lt3A : i32
    %lt3A_96 = arith.constant 0 : i32
    %lt3A_97 = arith.cmpi slt, %select_n3A_91, %lt3A_96 : i32
    %ne3A_98 = arith.xori %lt3A_95, %lt3A_97 : i1
    %and3A_99 = arith.andi %ne3A_98, %ne3A_94 : i1
    %add3A_100 = arith.addi %rem3A_92, %select_n3A_91 : i32
    %select_n3A_101 = arith.select %and3A_99, %add3A_100, %rem3A_92 : i32
    %mul3A_102 = arith.constant 1024 : i32
    %mul3A_103 = arith.muli %select_n3A_101, %mul3A_102 : i32
    %multiple_of3A = tpu.assume_multiple %mul3A_103, 1024 : i32
    %sub3A_104 = arith.constant 128 : i32
    %sub3A_105 = arith.subi %multiple_of3A, %sub3A_104 : i32
    %jit3A_106 = arith.constant 0 : i32
    %jit3A_107 = arith.constant 6912 : i32
    %max3A = arith.maxsi %jit3A_106, %sub3A_105 : i32
    %min3A = arith.minsi %jit3A_107, %max3A : i32
    %multiple_of3A_108 = tpu.assume_multiple %min3A, 128 : i32
    %dma_start3A = arith.constant 0 : i32
    %dma_start3A_109 = tpu.memref_slice %arg2[%select_n3A, %dma_start3A, %multiple_of3A_108] : memref<64x16x8192xf32, #tpu.memory_space<hbm>> -> memref<1x16x1280xf32, #tpu.memory_space<hbm>>
    %dma_start3A_110 = tpu.memref_squeeze %dma_start3A_109 : memref<1x16x1280xf32, #tpu.memory_space<hbm>> -> memref<16x1280xf32, #tpu.memory_space<hbm>>
    %dma_start3A_111 = arith.constant 0 : i32
    %dma_start3A_112 = tpu.memref_slice %arg2[%select_n3A, %dma_start3A_111, %multiple_of3A_108] : memref<64x16x8192xf32, #tpu.memory_space<hbm>> -> memref<1x16x1280xf32, #tpu.memory_space<hbm>>
    %dma_start3A_113 = tpu.memref_squeeze %dma_start3A_112 : memref<1x16x1280xf32, #tpu.memory_space<hbm>> -> memref<16x1280xf32, #tpu.memory_space<hbm>>
    tpu.enqueue_dma source(%dma_start3A_113 : memref<16x1280xf32, #tpu.memory_space<hbm>>) target(%arg5 : memref<16x1280xf32, #tpu.memory_space<vmem>>) target_semaphore(%arg10 : memref<!tpu.dma_semaphore, #tpu.memory_space<semaphore_mem>>)
    %scan3A = arith.constant 0 : i32
    %scan3A_114 = arith.constant 0 : i32
    %scan3A_115 = arith.constant 8 : i32
    %scan3A_116 = arith.addi %scan3A_114, %scan3A_115 : i32
    %scan3A_117 = arith.constant 1 : i32
    scf.for %scan3A_238 = %scan3A_114 to %scan3A_116 step %scan3A_117  : i32 {
      %mul3A_239 = arith.constant 2 : i32
      %mul3A_240 = arith.muli %scan3A_238, %mul3A_239 : i32
      %add3A_241 = arith.constant 0 : i32
      %add3A_242 = arith.addi %mul3A_240, %add3A_241 : i32
      %mul3A_243 = arith.constant 16 : i32
      %mul3A_244 = arith.muli %add3A, %mul3A_243 : i32
      %add3A_245 = arith.addi %mul3A_244, %add3A_242 : i32
      %jit3A_246 = arith.constant 8 : i32
      %div3A_247 = arith.divsi %add3A_245, %jit3A_246 : i32
      %sign3A_248 = arith.constant 0 : i32
      %sign3A_249 = arith.cmpi sgt, %add3A_245, %sign3A_248 : i32
      %sign3A_250 = arith.extui %sign3A_249 : i1 to i32
      %sign3A_251 = arith.constant 0 : i32
      %sign3A_252 = arith.cmpi slt, %add3A_245, %sign3A_251 : i32
      %sign3A_253 = arith.extui %sign3A_252 : i1 to i32
      %sign3A_254 = arith.subi %sign3A_250, %sign3A_253 : i32
      %sign3A_255 = arith.constant 0 : i32
      %sign3A_256 = arith.cmpi sgt, %jit3A_246, %sign3A_255 : i32
      %sign3A_257 = arith.extui %sign3A_256 : i1 to i32
      %sign3A_258 = arith.constant 0 : i32
      %sign3A_259 = arith.cmpi slt, %jit3A_246, %sign3A_258 : i32
      %sign3A_260 = arith.extui %sign3A_259 : i1 to i32
      %sign3A_261 = arith.subi %sign3A_257, %sign3A_260 : i32
      %ne3A_262 = arith.cmpi ne, %sign3A_254, %sign3A_261 : i32
      %rem3A_263 = arith.remsi %add3A_245, %jit3A_246 : i32
      %ne3A_264 = arith.constant 0 : i32
      %ne3A_265 = arith.cmpi ne, %rem3A_263, %ne3A_264 : i32
      %and3A_266 = arith.andi %ne3A_262, %ne3A_265 : i1
      %sub3A_267 = arith.constant 1 : i32
      %sub3A_268 = arith.subi %div3A_247, %sub3A_267 : i32
      %select_n3A_269 = arith.select %and3A_266, %sub3A_268, %div3A_247 : i32
      %jit3A_270 = arith.constant 8 : i32
      %eq3A_271 = arith.constant 0 : i32
      %eq3A_272 = arith.cmpi eq, %jit3A_270, %eq3A_271 : i32
      %jit3A_273 = arith.constant 1 : i32
      %select_n3A_274 = arith.select %eq3A_272, %jit3A_273, %jit3A_270 : i32
      %rem3A_275 = arith.remsi %add3A_245, %select_n3A_274 : i32
      %ne3A_276 = arith.constant 0 : i32
      %ne3A_277 = arith.cmpi ne, %rem3A_275, %ne3A_276 : i32
      %lt3A_278 = arith.constant 0 : i32
      %lt3A_279 = arith.cmpi slt, %rem3A_275, %lt3A_278 : i32
      %lt3A_280 = arith.constant 0 : i32
      %lt3A_281 = arith.cmpi slt, %select_n3A_274, %lt3A_280 : i32
      %ne3A_282 = arith.xori %lt3A_279, %lt3A_281 : i1
      %and3A_283 = arith.andi %ne3A_282, %ne3A_277 : i1
      %add3A_284 = arith.addi %rem3A_275, %select_n3A_274 : i32
      %select_n3A_285 = arith.select %and3A_283, %add3A_284, %rem3A_275 : i32
      %mul3A_286 = arith.constant 1024 : i32
      %mul3A_287 = arith.muli %select_n3A_285, %mul3A_286 : i32
      %multiple_of3A_288 = tpu.assume_multiple %mul3A_287, 1024 : i32
      %sub3A_289 = arith.constant 128 : i32
      %sub3A_290 = arith.subi %multiple_of3A_288, %sub3A_289 : i32
      %jit3A_291 = arith.constant 0 : i32
      %jit3A_292 = arith.constant 6912 : i32
      %max3A_293 = arith.maxsi %jit3A_291, %sub3A_290 : i32
      %min3A_294 = arith.minsi %jit3A_292, %max3A_293 : i32
      %multiple_of3A_295 = tpu.assume_multiple %min3A_294, 128 : i32
      %dma_wait3A_296 = arith.constant 0 : i32
      %dma_wait3A_297 = tpu.memref_slice %arg2[%select_n3A_269, %dma_wait3A_296, %multiple_of3A_295] : memref<64x16x8192xf32, #tpu.memory_space<hbm>> -> memref<1x16x1280xf32, #tpu.memory_space<hbm>>
      %dma_wait3A_298 = tpu.memref_squeeze %dma_wait3A_297 : memref<1x16x1280xf32, #tpu.memory_space<hbm>> -> memref<16x1280xf32, #tpu.memory_space<hbm>>
      %dma_wait3A_299 = arith.constant 0 : i32
      %dma_wait3A_300 = tpu.memref_slice %arg2[%select_n3A_269, %dma_wait3A_299, %multiple_of3A_295] : memref<64x16x8192xf32, #tpu.memory_space<hbm>> -> memref<1x16x1280xf32, #tpu.memory_space<hbm>>
      %dma_wait3A_301 = tpu.memref_squeeze %dma_wait3A_300 : memref<1x16x1280xf32, #tpu.memory_space<hbm>> -> memref<16x1280xf32, #tpu.memory_space<hbm>>
      tpu.wait_dma2 semaphore(%arg10 : memref<!tpu.dma_semaphore, #tpu.memory_space<semaphore_mem>>) src(%dma_wait3A_301 : memref<16x1280xf32, #tpu.memory_space<hbm>>) dst(%arg5 : memref<16x1280xf32, #tpu.memory_space<vmem>>)
      %add3A_302 = arith.constant 1 : i32
      %add3A_303 = arith.addi %add3A_242, %add3A_302 : i32
      %mul3A_304 = arith.constant 16 : i32
      %mul3A_305 = arith.muli %add3A, %mul3A_304 : i32
      %add3A_306 = arith.addi %mul3A_305, %add3A_303 : i32
      %jit3A_307 = arith.constant 8 : i32
      %div3A_308 = arith.divsi %add3A_306, %jit3A_307 : i32
      %sign3A_309 = arith.constant 0 : i32
      %sign3A_310 = arith.cmpi sgt, %add3A_306, %sign3A_309 : i32
      %sign3A_311 = arith.extui %sign3A_310 : i1 to i32
      %sign3A_312 = arith.constant 0 : i32
      %sign3A_313 = arith.cmpi slt, %add3A_306, %sign3A_312 : i32
      %sign3A_314 = arith.extui %sign3A_313 : i1 to i32
      %sign3A_315 = arith.subi %sign3A_311, %sign3A_314 : i32
      %sign3A_316 = arith.constant 0 : i32
      %sign3A_317 = arith.cmpi sgt, %jit3A_307, %sign3A_316 : i32
      %sign3A_318 = arith.extui %sign3A_317 : i1 to i32
      %sign3A_319 = arith.constant 0 : i32
      %sign3A_320 = arith.cmpi slt, %jit3A_307, %sign3A_319 : i32
      %sign3A_321 = arith.extui %sign3A_320 : i1 to i32
      %sign3A_322 = arith.subi %sign3A_318, %sign3A_321 : i32
      %ne3A_323 = arith.cmpi ne, %sign3A_315, %sign3A_322 : i32
      %rem3A_324 = arith.remsi %add3A_306, %jit3A_307 : i32
      %ne3A_325 = arith.constant 0 : i32
      %ne3A_326 = arith.cmpi ne, %rem3A_324, %ne3A_325 : i32
      %and3A_327 = arith.andi %ne3A_323, %ne3A_326 : i1
      %sub3A_328 = arith.constant 1 : i32
      %sub3A_329 = arith.subi %div3A_308, %sub3A_328 : i32
      %select_n3A_330 = arith.select %and3A_327, %sub3A_329, %div3A_308 : i32
      %jit3A_331 = arith.constant 8 : i32
      %eq3A_332 = arith.constant 0 : i32
      %eq3A_333 = arith.cmpi eq, %jit3A_331, %eq3A_332 : i32
      %jit3A_334 = arith.constant 1 : i32
      %select_n3A_335 = arith.select %eq3A_333, %jit3A_334, %jit3A_331 : i32
      %rem3A_336 = arith.remsi %add3A_306, %select_n3A_335 : i32
      %ne3A_337 = arith.constant 0 : i32
      %ne3A_338 = arith.cmpi ne, %rem3A_336, %ne3A_337 : i32
      %lt3A_339 = arith.constant 0 : i32
      %lt3A_340 = arith.cmpi slt, %rem3A_336, %lt3A_339 : i32
      %lt3A_341 = arith.constant 0 : i32
      %lt3A_342 = arith.cmpi slt, %select_n3A_335, %lt3A_341 : i32
      %ne3A_343 = arith.xori %lt3A_340, %lt3A_342 : i1
      %and3A_344 = arith.andi %ne3A_343, %ne3A_338 : i1
      %add3A_345 = arith.addi %rem3A_336, %select_n3A_335 : i32
      %select_n3A_346 = arith.select %and3A_344, %add3A_345, %rem3A_336 : i32
      %mul3A_347 = arith.constant 1024 : i32
      %mul3A_348 = arith.muli %select_n3A_346, %mul3A_347 : i32
      %multiple_of3A_349 = tpu.assume_multiple %mul3A_348, 1024 : i32
      %sub3A_350 = arith.constant 128 : i32
      %sub3A_351 = arith.subi %multiple_of3A_349, %sub3A_350 : i32
      %jit3A_352 = arith.constant 0 : i32
      %jit3A_353 = arith.constant 6912 : i32
      %max3A_354 = arith.maxsi %jit3A_352, %sub3A_351 : i32
      %min3A_355 = arith.minsi %jit3A_353, %max3A_354 : i32
      %multiple_of3A_356 = tpu.assume_multiple %min3A_355, 128 : i32
      %dma_start3A_357 = arith.constant 0 : i32
      %dma_start3A_358 = tpu.memref_slice %arg2[%select_n3A_330, %dma_start3A_357, %multiple_of3A_356] : memref<64x16x8192xf32, #tpu.memory_space<hbm>> -> memref<1x16x1280xf32, #tpu.memory_space<hbm>>
      %dma_start3A_359 = tpu.memref_squeeze %dma_start3A_358 : memref<1x16x1280xf32, #tpu.memory_space<hbm>> -> memref<16x1280xf32, #tpu.memory_space<hbm>>
      %dma_start3A_360 = arith.constant 0 : i32
      %dma_start3A_361 = tpu.memref_slice %arg2[%select_n3A_330, %dma_start3A_360, %multiple_of3A_356] : memref<64x16x8192xf32, #tpu.memory_space<hbm>> -> memref<1x16x1280xf32, #tpu.memory_space<hbm>>
      %dma_start3A_362 = tpu.memref_squeeze %dma_start3A_361 : memref<1x16x1280xf32, #tpu.memory_space<hbm>> -> memref<16x1280xf32, #tpu.memory_space<hbm>>
      tpu.enqueue_dma source(%dma_start3A_362 : memref<16x1280xf32, #tpu.memory_space<hbm>>) target(%arg6 : memref<16x1280xf32, #tpu.memory_space<vmem>>) target_semaphore(%arg11 : memref<!tpu.dma_semaphore, #tpu.memory_space<semaphore_mem>>)
      %gt3A = arith.constant 0 : i32
      %gt3A_363 = arith.cmpi sgt, %scan3A_238, %gt3A : i32
      %convert_element_type3A = arith.extui %gt3A_363 : i1 to i32
      %cond3A = arith.constant 0 : i32
      %cond3A_364 = arith.cmpi ne, %convert_element_type3A, %cond3A : i32
      scf.if %cond3A_364 {
        %sub3A_676 = arith.constant 2 : i32
        %sub3A_677 = arith.subi %add3A_242, %sub3A_676 : i32
        %mul3A_678 = arith.constant 16 : i32
        %mul3A_679 = arith.muli %add3A, %mul3A_678 : i32
        %add3A_680 = arith.addi %mul3A_679, %sub3A_677 : i32
        %jit3A_681 = arith.constant 8 : i32
        %div3A_682 = arith.divsi %add3A_680, %jit3A_681 : i32
        %sign3A_683 = arith.constant 0 : i32
        %sign3A_684 = arith.cmpi sgt, %add3A_680, %sign3A_683 : i32
        %sign3A_685 = arith.extui %sign3A_684 : i1 to i32
        %sign3A_686 = arith.constant 0 : i32
        %sign3A_687 = arith.cmpi slt, %add3A_680, %sign3A_686 : i32
        %sign3A_688 = arith.extui %sign3A_687 : i1 to i32
        %sign3A_689 = arith.subi %sign3A_685, %sign3A_688 : i32
        %sign3A_690 = arith.constant 0 : i32
        %sign3A_691 = arith.cmpi sgt, %jit3A_681, %sign3A_690 : i32
        %sign3A_692 = arith.extui %sign3A_691 : i1 to i32
        %sign3A_693 = arith.constant 0 : i32
        %sign3A_694 = arith.cmpi slt, %jit3A_681, %sign3A_693 : i32
        %sign3A_695 = arith.extui %sign3A_694 : i1 to i32
        %sign3A_696 = arith.subi %sign3A_692, %sign3A_695 : i32
        %ne3A_697 = arith.cmpi ne, %sign3A_689, %sign3A_696 : i32
        %rem3A_698 = arith.remsi %add3A_680, %jit3A_681 : i32
        %ne3A_699 = arith.constant 0 : i32
        %ne3A_700 = arith.cmpi ne, %rem3A_698, %ne3A_699 : i32
        %and3A_701 = arith.andi %ne3A_697, %ne3A_700 : i1
        %sub3A_702 = arith.constant 1 : i32
        %sub3A_703 = arith.subi %div3A_682, %sub3A_702 : i32
        %select_n3A_704 = arith.select %and3A_701, %sub3A_703, %div3A_682 : i32
        %jit3A_705 = arith.constant 8 : i32
        %eq3A_706 = arith.constant 0 : i32
        %eq3A_707 = arith.cmpi eq, %jit3A_705, %eq3A_706 : i32
        %jit3A_708 = arith.constant 1 : i32
        %select_n3A_709 = arith.select %eq3A_707, %jit3A_708, %jit3A_705 : i32
        %rem3A_710 = arith.remsi %add3A_680, %select_n3A_709 : i32
        %ne3A_711 = arith.constant 0 : i32
        %ne3A_712 = arith.cmpi ne, %rem3A_710, %ne3A_711 : i32
        %lt3A_713 = arith.constant 0 : i32
        %lt3A_714 = arith.cmpi slt, %rem3A_710, %lt3A_713 : i32
        %lt3A_715 = arith.constant 0 : i32
        %lt3A_716 = arith.cmpi slt, %select_n3A_709, %lt3A_715 : i32
        %ne3A_717 = arith.xori %lt3A_714, %lt3A_716 : i1
        %and3A_718 = arith.andi %ne3A_717, %ne3A_712 : i1
        %add3A_719 = arith.addi %rem3A_710, %select_n3A_709 : i32
        %select_n3A_720 = arith.select %and3A_718, %add3A_719, %rem3A_710 : i32
        %mul3A_721 = arith.constant 1024 : i32
        %mul3A_722 = arith.muli %select_n3A_720, %mul3A_721 : i32
        %multiple_of3A_723 = tpu.assume_multiple %mul3A_722, 1024 : i32
        %sub3A_724 = arith.constant 128 : i32
        %sub3A_725 = arith.subi %multiple_of3A_723, %sub3A_724 : i32
        %jit3A_726 = arith.constant 0 : i32
        %jit3A_727 = arith.constant 6912 : i32
        %max3A_728 = arith.maxsi %jit3A_726, %sub3A_725 : i32
        %min3A_729 = arith.minsi %jit3A_727, %max3A_728 : i32
        %multiple_of3A_730 = tpu.assume_multiple %min3A_729, 128 : i32
        %dma_wait3A_731 = arith.constant 0 : i32
        %dma_wait3A_732 = tpu.memref_slice %arg4[%select_n3A_704, %dma_wait3A_731, %multiple_of3A_723] : memref<64x16x8192xf32, #tpu.memory_space<hbm>> -> memref<1x16x1024xf32, #tpu.memory_space<hbm>>
        %dma_wait3A_733 = tpu.memref_squeeze %dma_wait3A_732 : memref<1x16x1024xf32, #tpu.memory_space<hbm>> -> memref<16x1024xf32, #tpu.memory_space<hbm>>
        %dma_wait3A_734 = arith.constant 0 : i32
        %dma_wait3A_735 = tpu.memref_slice %arg4[%select_n3A_704, %dma_wait3A_734, %multiple_of3A_723] : memref<64x16x8192xf32, #tpu.memory_space<hbm>> -> memref<1x16x1024xf32, #tpu.memory_space<hbm>>
        %dma_wait3A_736 = tpu.memref_squeeze %dma_wait3A_735 : memref<1x16x1024xf32, #tpu.memory_space<hbm>> -> memref<16x1024xf32, #tpu.memory_space<hbm>>
        tpu.wait_dma2 semaphore(%arg12 : memref<!tpu.dma_semaphore, #tpu.memory_space<semaphore_mem>>) src(%arg7 : memref<16x1024xf32, #tpu.memory_space<vmem>>) dst(%dma_wait3A_736 : memref<16x1024xf32, #tpu.memory_space<hbm>>)
      } else {
      }
      %mul3A_365 = arith.constant 16 : i32
      %mul3A_366 = arith.muli %add3A, %mul3A_365 : i32
      %add3A_367 = arith.addi %mul3A_366, %add3A_242 : i32
      %jit3A_368 = arith.constant 8 : i32
      %div3A_369 = arith.divsi %add3A_367, %jit3A_368 : i32
      %sign3A_370 = arith.constant 0 : i32
      %sign3A_371 = arith.cmpi sgt, %add3A_367, %sign3A_370 : i32
      %sign3A_372 = arith.extui %sign3A_371 : i1 to i32
      %sign3A_373 = arith.constant 0 : i32
      %sign3A_374 = arith.cmpi slt, %add3A_367, %sign3A_373 : i32
      %sign3A_375 = arith.extui %sign3A_374 : i1 to i32
      %sign3A_376 = arith.subi %sign3A_372, %sign3A_375 : i32
      %sign3A_377 = arith.constant 0 : i32
      %sign3A_378 = arith.cmpi sgt, %jit3A_368, %sign3A_377 : i32
      %sign3A_379 = arith.extui %sign3A_378 : i1 to i32
      %sign3A_380 = arith.constant 0 : i32
      %sign3A_381 = arith.cmpi slt, %jit3A_368, %sign3A_380 : i32
      %sign3A_382 = arith.extui %sign3A_381 : i1 to i32
      %sign3A_383 = arith.subi %sign3A_379, %sign3A_382 : i32
      %ne3A_384 = arith.cmpi ne, %sign3A_376, %sign3A_383 : i32
      %rem3A_385 = arith.remsi %add3A_367, %jit3A_368 : i32
      %ne3A_386 = arith.constant 0 : i32
      %ne3A_387 = arith.cmpi ne, %rem3A_385, %ne3A_386 : i32
      %and3A_388 = arith.andi %ne3A_384, %ne3A_387 : i1
      %sub3A_389 = arith.constant 1 : i32
      %sub3A_390 = arith.subi %div3A_369, %sub3A_389 : i32
      %select_n3A_391 = arith.select %and3A_388, %sub3A_390, %div3A_369 : i32
      %jit3A_392 = arith.constant 8 : i32
      %eq3A_393 = arith.constant 0 : i32
      %eq3A_394 = arith.cmpi eq, %jit3A_392, %eq3A_393 : i32
      %jit3A_395 = arith.constant 1 : i32
      %select_n3A_396 = arith.select %eq3A_394, %jit3A_395, %jit3A_392 : i32
      %rem3A_397 = arith.remsi %add3A_367, %select_n3A_396 : i32
      %ne3A_398 = arith.constant 0 : i32
      %ne3A_399 = arith.cmpi ne, %rem3A_397, %ne3A_398 : i32
      %lt3A_400 = arith.constant 0 : i32
      %lt3A_401 = arith.cmpi slt, %rem3A_397, %lt3A_400 : i32
      %lt3A_402 = arith.constant 0 : i32
      %lt3A_403 = arith.cmpi slt, %select_n3A_396, %lt3A_402 : i32
      %ne3A_404 = arith.xori %lt3A_401, %lt3A_403 : i1
      %and3A_405 = arith.andi %ne3A_404, %ne3A_399 : i1
      %add3A_406 = arith.addi %rem3A_397, %select_n3A_396 : i32
      %select_n3A_407 = arith.select %and3A_405, %add3A_406, %rem3A_397 : i32
      %mul3A_408 = arith.constant 1024 : i32
      %mul3A_409 = arith.muli %select_n3A_407, %mul3A_408 : i32
      %multiple_of3A_410 = tpu.assume_multiple %mul3A_409, 1024 : i32
      %sub3A_411 = arith.constant 128 : i32
      %sub3A_412 = arith.subi %multiple_of3A_410, %sub3A_411 : i32
      %jit3A_413 = arith.constant 0 : i32
      %jit3A_414 = arith.constant 6912 : i32
      %max3A_415 = arith.maxsi %jit3A_413, %sub3A_412 : i32
      %min3A_416 = arith.minsi %jit3A_414, %max3A_415 : i32
      %multiple_of3A_417 = tpu.assume_multiple %min3A_416, 128 : i32
      %sub3A_418 = arith.subi %multiple_of3A_410, %multiple_of3A_417 : i32
      %scan3A_419 = arith.constant 0 : i32
      %scan3A_420 = arith.constant 0 : i32
      %scan3A_421 = arith.constant 64 : i32
      %scan3A_422 = arith.addi %scan3A_420, %scan3A_421 : i32
      %scan3A_423 = arith.constant 1 : i32
      scf.for %scan3A_676 = %scan3A_420 to %scan3A_422 step %scan3A_423  : i32 {
        %mul3A_677 = arith.constant 16 : i32
        %mul3A_678 = arith.muli %scan3A_676, %mul3A_677 : i32
        %add3A_679 = arith.addi %sub3A_418, %mul3A_678 : i32
        %get3A_680 = arith.constant 0 : i32
        %get3A_681 = arith.index_cast %get3A_680 : i32 to index
        %get3A_682 = arith.index_cast %add3A_679 : i32 to index
        %get3A_683 = tpu.vector_load %arg5[%get3A_681, %get3A_682] {strides = array<i32>} : memref<16x1280xf32, #tpu.memory_space<vmem>>, vector<16xf32>,
        %mul3A_684 = arith.mulf %get3A_683, %get3A_3 : vector<16xf32>
        %get3A_685 = arith.constant 1 : i32
        %get3A_686 = arith.index_cast %get3A_685 : i32 to index
        %get3A_687 = arith.index_cast %add3A_679 : i32 to index
        %get3A_688 = tpu.vector_load %arg5[%get3A_686, %get3A_687] {strides = array<i32>} : memref<16x1280xf32, #tpu.memory_space<vmem>>, vector<16xf32>,
        %mul3A_689 = arith.mulf %get3A_688, %get3A_7 : vector<16xf32>
        %add3A_690 = arith.addf %mul3A_684, %mul3A_689 : vector<16xf32>
        %get3A_691 = arith.constant 2 : i32
        %get3A_692 = arith.index_cast %get3A_691 : i32 to index
        %get3A_693 = arith.index_cast %add3A_679 : i32 to index
        %get3A_694 = tpu.vector_load %arg5[%get3A_692, %get3A_693] {strides = array<i32>} : memref<16x1280xf32, #tpu.memory_space<vmem>>, vector<16xf32>,
        %mul3A_695 = arith.mulf %get3A_694, %get3A_11 : vector<16xf32>
        %add3A_696 = arith.addf %add3A_690, %mul3A_695 : vector<16xf32>
        %get3A_697 = arith.constant 3 : i32
        %get3A_698 = arith.index_cast %get3A_697 : i32 to index
        %get3A_699 = arith.index_cast %add3A_679 : i32 to index
        %get3A_700 = tpu.vector_load %arg5[%get3A_698, %get3A_699] {strides = array<i32>} : memref<16x1280xf32, #tpu.memory_space<vmem>>, vector<16xf32>,
        %mul3A_701 = arith.mulf %get3A_700, %get3A_15 : vector<16xf32>
        %add3A_702 = arith.addf %add3A_696, %mul3A_701 : vector<16xf32>
        %get3A_703 = arith.constant 4 : i32
        %get3A_704 = arith.index_cast %get3A_703 : i32 to index
        %get3A_705 = arith.index_cast %add3A_679 : i32 to index
        %get3A_706 = tpu.vector_load %arg5[%get3A_704, %get3A_705] {strides = array<i32>} : memref<16x1280xf32, #tpu.memory_space<vmem>>, vector<16xf32>,
        %mul3A_707 = arith.mulf %get3A_706, %get3A_19 : vector<16xf32>
        %add3A_708 = arith.addf %add3A_702, %mul3A_707 : vector<16xf32>
        %get3A_709 = arith.constant 5 : i32
        %get3A_710 = arith.index_cast %get3A_709 : i32 to index
        %get3A_711 = arith.index_cast %add3A_679 : i32 to index
        %get3A_712 = tpu.vector_load %arg5[%get3A_710, %get3A_711] {strides = array<i32>} : memref<16x1280xf32, #tpu.memory_space<vmem>>, vector<16xf32>,
        %mul3A_713 = arith.mulf %get3A_712, %get3A_23 : vector<16xf32>
        %add3A_714 = arith.addf %add3A_708, %mul3A_713 : vector<16xf32>
        %get3A_715 = arith.constant 6 : i32
        %get3A_716 = arith.index_cast %get3A_715 : i32 to index
        %get3A_717 = arith.index_cast %add3A_679 : i32 to index
        %get3A_718 = tpu.vector_load %arg5[%get3A_716, %get3A_717] {strides = array<i32>} : memref<16x1280xf32, #tpu.memory_space<vmem>>, vector<16xf32>,
        %mul3A_719 = arith.mulf %get3A_718, %get3A_27 : vector<16xf32>
        %add3A_720 = arith.addf %add3A_714, %mul3A_719 : vector<16xf32>
        %get3A_721 = arith.constant 7 : i32
        %get3A_722 = arith.index_cast %get3A_721 : i32 to index
        %get3A_723 = arith.index_cast %add3A_679 : i32 to index
        %get3A_724 = tpu.vector_load %arg5[%get3A_722, %get3A_723] {strides = array<i32>} : memref<16x1280xf32, #tpu.memory_space<vmem>>, vector<16xf32>,
        %mul3A_725 = arith.mulf %get3A_724, %get3A_31 : vector<16xf32>
        %add3A_726 = arith.addf %add3A_720, %mul3A_725 : vector<16xf32>
        %get3A_727 = arith.constant 8 : i32
        %get3A_728 = arith.index_cast %get3A_727 : i32 to index
        %get3A_729 = arith.index_cast %add3A_679 : i32 to index
        %get3A_730 = tpu.vector_load %arg5[%get3A_728, %get3A_729] {strides = array<i32>} : memref<16x1280xf32, #tpu.memory_space<vmem>>, vector<16xf32>,
        %mul3A_731 = arith.mulf %get3A_730, %get3A_35 : vector<16xf32>
        %add3A_732 = arith.addf %add3A_726, %mul3A_731 : vector<16xf32>
        %get3A_733 = arith.constant 9 : i32
        %get3A_734 = arith.index_cast %get3A_733 : i32 to index
        %get3A_735 = arith.index_cast %add3A_679 : i32 to index
        %get3A_736 = tpu.vector_load %arg5[%get3A_734, %get3A_735] {strides = array<i32>} : memref<16x1280xf32, #tpu.memory_space<vmem>>, vector<16xf32>,
        %mul3A_737 = arith.mulf %get3A_736, %get3A_39 : vector<16xf32>
        %add3A_738 = arith.addf %add3A_732, %mul3A_737 : vector<16xf32>
        %get3A_739 = arith.constant 10 : i32
        %get3A_740 = arith.index_cast %get3A_739 : i32 to index
        %get3A_741 = arith.index_cast %add3A_679 : i32 to index
        %get3A_742 = tpu.vector_load %arg5[%get3A_740, %get3A_741] {strides = array<i32>} : memref<16x1280xf32, #tpu.memory_space<vmem>>, vector<16xf32>,
        %mul3A_743 = arith.mulf %get3A_742, %get3A_43 : vector<16xf32>
        %add3A_744 = arith.addf %add3A_738, %mul3A_743 : vector<16xf32>
        %get3A_745 = arith.constant 11 : i32
        %get3A_746 = arith.index_cast %get3A_745 : i32 to index
        %get3A_747 = arith.index_cast %add3A_679 : i32 to index
        %get3A_748 = tpu.vector_load %arg5[%get3A_746, %get3A_747] {strides = array<i32>} : memref<16x1280xf32, #tpu.memory_space<vmem>>, vector<16xf32>,
        %mul3A_749 = arith.mulf %get3A_748, %get3A_47 : vector<16xf32>
        %add3A_750 = arith.addf %add3A_744, %mul3A_749 : vector<16xf32>
        %get3A_751 = arith.constant 12 : i32
        %get3A_752 = arith.index_cast %get3A_751 : i32 to index
        %get3A_753 = arith.index_cast %add3A_679 : i32 to index
        %get3A_754 = tpu.vector_load %arg5[%get3A_752, %get3A_753] {strides = array<i32>} : memref<16x1280xf32, #tpu.memory_space<vmem>>, vector<16xf32>,
        %mul3A_755 = arith.mulf %get3A_754, %get3A_51 : vector<16xf32>
        %add3A_756 = arith.addf %add3A_750, %mul3A_755 : vector<16xf32>
        %get3A_757 = arith.constant 13 : i32
        %get3A_758 = arith.index_cast %get3A_757 : i32 to index
        %get3A_759 = arith.index_cast %add3A_679 : i32 to index
        %get3A_760 = tpu.vector_load %arg5[%get3A_758, %get3A_759] {strides = array<i32>} : memref<16x1280xf32, #tpu.memory_space<vmem>>, vector<16xf32>,
        %mul3A_761 = arith.mulf %get3A_760, %get3A_55 : vector<16xf32>
        %add3A_762 = arith.addf %add3A_756, %mul3A_761 : vector<16xf32>
        %get3A_763 = arith.constant 14 : i32
        %get3A_764 = arith.index_cast %get3A_763 : i32 to index
        %get3A_765 = arith.index_cast %add3A_679 : i32 to index
        %get3A_766 = tpu.vector_load %arg5[%get3A_764, %get3A_765] {strides = array<i32>} : memref<16x1280xf32, #tpu.memory_space<vmem>>, vector<16xf32>,
        %mul3A_767 = arith.mulf %get3A_766, %get3A_59 : vector<16xf32>
        %add3A_768 = arith.addf %add3A_762, %mul3A_767 : vector<16xf32>
        %get3A_769 = arith.constant 15 : i32
        %get3A_770 = arith.index_cast %get3A_769 : i32 to index
        %get3A_771 = arith.index_cast %add3A_679 : i32 to index
        %get3A_772 = tpu.vector_load %arg5[%get3A_770, %get3A_771] {strides = array<i32>} : memref<16x1280xf32, #tpu.memory_space<vmem>>, vector<16xf32>,
        %mul3A_773 = arith.mulf %get3A_772, %get3A_63 : vector<16xf32>
        %add3A_774 = arith.addf %add3A_768, %mul3A_773 : vector<16xf32>
        %add3A_775 = arith.addf %add3A_774, %get3A_67 : vector<16xf32>
        %mul3A_776 = arith.constant 2.000000e+00 : f32
        %mul3A_777 = vector.broadcast %mul3A_776 : f32 to vector<16xf32>
        %mul3A_778 = arith.mulf %add3A_775, %mul3A_777 : vector<16xf32>
        %exp3A = math.exp %mul3A_778 : vector<16xf32>
        %abs3A = math.absf %add3A_775 : vector<16xf32>
        %lt3A_779 = arith.constant 9.765625E-4 : f32
        %lt3A_780 = vector.broadcast %lt3A_779 : f32 to vector<16xf32>
        %lt3A_781 = arith.cmpf olt, %abs3A, %lt3A_780 : vector<16xf32>
        %mul3A_782 = arith.mulf %add3A_775, %add3A_775 : vector<16xf32>
        %mul3A_783 = arith.constant 0.333333343 : f32
        %mul3A_784 = vector.broadcast %mul3A_783 : f32 to vector<16xf32>
        %mul3A_785 = arith.mulf %mul3A_782, %mul3A_784 : vector<16xf32>
        %sub3A_786 = arith.constant 1.000000e+00 : f32
        %sub3A_787 = vector.broadcast %sub3A_786 : f32 to vector<16xf32>
        %sub3A_788 = arith.subf %sub3A_787, %mul3A_785 : vector<16xf32>
        %mul3A_789 = arith.mulf %add3A_775, %sub3A_788 : vector<16xf32>
        %add3A_790 = arith.constant 1.000000e+00 : f32
        %add3A_791 = vector.broadcast %add3A_790 : f32 to vector<16xf32>
        %add3A_792 = arith.addf %exp3A, %add3A_791 : vector<16xf32>
        %div3A_793 = arith.constant 2.000000e+00 : f32
        %div3A_794 = vector.broadcast %div3A_793 : f32 to vector<16xf32>
        %div3A_795 = arith.divf %div3A_794, %add3A_792 : vector<16xf32>
        %sub3A_796 = arith.constant 1.000000e+00 : f32
        %sub3A_797 = vector.broadcast %sub3A_796 : f32 to vector<16xf32>
        %sub3A_798 = arith.subf %sub3A_797, %div3A_795 : vector<16xf32>
        %select_n3A_799 = arith.select %lt3A_781, %mul3A_789, %sub3A_798 : vector<16xi1>, vector<16xf32>
        %iota3A = tpu.iota {dimensions = array<i32: 0>} : vector<16xi32>
        %mul3A_800 = arith.constant 16 : i32
        %mul3A_801 = arith.muli %scan3A_676, %mul3A_800 : i32
        %add3A_802 = arith.addi %multiple_of3A_410, %mul3A_801 : i32
        %add3A_803 = vector.broadcast %add3A_802 : i32 to vector<16xi32>
        %add3A_804 = arith.addi %iota3A, %add3A_803 : vector<16xi32>
        %convert_element_type3A_805 = arith.sitofp %add3A_804 : vector<16xi32> to vector<16xf32>
        %add3A_806 = arith.addf %convert_element_type3A_805, %select_n3A_799 : vector<16xf32>
        %convert_element_type3A_807 = arith.fptosi %add3A_806 : vector<16xf32> to vector<16xi32>
        %convert_element_type3A_808 = arith.sitofp %convert_element_type3A_807 : vector<16xi32> to vector<16xf32>
        %gt3A_809 = arith.cmpf ogt, %convert_element_type3A_808, %add3A_806 : vector<16xf32>
        %sub3A_810 = arith.constant 1 : i32
        %sub3A_811 = vector.broadcast %sub3A_810 : i32 to vector<16xi32>
        %sub3A_812 = arith.subi %convert_element_type3A_807, %sub3A_811 : vector<16xi32>
        %select_n3A_813 = arith.select %gt3A_809, %sub3A_812, %convert_element_type3A_807 : vector<16xi1>, vector<16xi32>
        %add3A_814 = arith.constant 1 : i32
        %add3A_815 = vector.broadcast %add3A_814 : i32 to vector<16xi32>
        %add3A_816 = arith.addi %select_n3A_813, %add3A_815 : vector<16xi32>
        %jit3A_817 = arith.constant 0 : i32
        %jit3A_818 = arith.constant 8191 : i32
        %max3A_819 = vector.broadcast %jit3A_817 : i32 to vector<16xi32>
        %max3A_820 = arith.maxsi %max3A_819, %select_n3A_813 : vector<16xi32>
        %min3A_821 = vector.broadcast %jit3A_818 : i32 to vector<16xi32>
        %min3A_822 = arith.minsi %min3A_821, %max3A_820 : vector<16xi32>
        %jit3A_823 = arith.constant 0 : i32
        %jit3A_824 = arith.constant 8191 : i32
        %max3A_825 = vector.broadcast %jit3A_823 : i32 to vector<16xi32>
        %max3A_826 = arith.maxsi %max3A_825, %add3A_816 : vector<16xi32>
        %min3A_827 = vector.broadcast %jit3A_824 : i32 to vector<16xi32>
        %min3A_828 = arith.minsi %min3A_827, %max3A_826 : vector<16xi32>
        %convert_element_type3A_829 = arith.sitofp %min3A_828 : vector<16xi32> to vector<16xf32>
        %sub3A_830 = arith.subf %convert_element_type3A_829, %add3A_806 : vector<16xf32>
        %convert_element_type3A_831 = arith.sitofp %min3A_822 : vector<16xi32> to vector<16xf32>
        %sub3A_832 = arith.subf %add3A_806, %convert_element_type3A_831 : vector<16xf32>
        %sub3A_833 = vector.broadcast %multiple_of3A_417 : i32 to vector<16xi32>
        %sub3A_834 = arith.subi %min3A_822, %sub3A_833 : vector<16xi32>
        %sub3A_835 = vector.broadcast %multiple_of3A_417 : i32 to vector<16xi32>
        %sub3A_836 = arith.subi %min3A_828, %sub3A_835 : vector<16xi32>
        %mul3A_837 = arith.constant 16 : i32
        %mul3A_838 = arith.muli %scan3A_676, %mul3A_837 : i32
        %broadcast_in_dim3A = arith.constant 0 : i32
        %broadcast_in_dim3A_839 = vector.broadcast %broadcast_in_dim3A : i32 to vector<16xi32>
        %gather3A = tpu.vector_load_idx %arg5[%broadcast_in_dim3A_839, %sub3A_834] : memref<16x1280xf32, #tpu.memory_space<vmem>>[vector<16xi32>, vector<16xi32>], vector<16xf32>,
        %gather3A_840 = tpu.vector_load_idx %arg5[%broadcast_in_dim3A_839, %sub3A_836] : memref<16x1280xf32, #tpu.memory_space<vmem>>[vector<16xi32>, vector<16xi32>], vector<16xf32>,
        %mul3A_841 = arith.mulf %sub3A_830, %gather3A : vector<16xf32>
        %mul3A_842 = arith.mulf %sub3A_832, %gather3A_840 : vector<16xf32>
        %add3A_843 = arith.addf %mul3A_841, %mul3A_842 : vector<16xf32>
        %swap3A = arith.constant 0 : i32
        %swap3A_844 = arith.index_cast %swap3A : i32 to index
        %swap3A_845 = arith.index_cast %mul3A_838 : i32 to index
        %swap3A_846 = tpu.vector_load %arg7[%swap3A_844, %swap3A_845] {strides = array<i32>} : memref<16x1024xf32, #tpu.memory_space<vmem>>, vector<16xf32>,
        tpu.vector_store %arg7[%swap3A_844, %swap3A_845], %add3A_843 {strides = array<i32>} : memref<16x1024xf32, #tpu.memory_space<vmem>>, vector<16xf32>,
        %broadcast_in_dim3A_847 = arith.constant 1 : i32
        %broadcast_in_dim3A_848 = vector.broadcast %broadcast_in_dim3A_847 : i32 to vector<16xi32>
        %gather3A_849 = tpu.vector_load_idx %arg5[%broadcast_in_dim3A_848, %sub3A_834] : memref<16x1280xf32, #tpu.memory_space<vmem>>[vector<16xi32>, vector<16xi32>], vector<16xf32>,
        %gather3A_850 = tpu.vector_load_idx %arg5[%broadcast_in_dim3A_848, %sub3A_836] : memref<16x1280xf32, #tpu.memory_space<vmem>>[vector<16xi32>, vector<16xi32>], vector<16xf32>,
        %mul3A_851 = arith.mulf %sub3A_830, %gather3A_849 : vector<16xf32>
        %mul3A_852 = arith.mulf %sub3A_832, %gather3A_850 : vector<16xf32>
        %add3A_853 = arith.addf %mul3A_851, %mul3A_852 : vector<16xf32>
        %swap3A_854 = arith.constant 1 : i32
        %swap3A_855 = arith.index_cast %swap3A_854 : i32 to index
        %swap3A_856 = arith.index_cast %mul3A_838 : i32 to index
        %swap3A_857 = tpu.vector_load %arg7[%swap3A_855, %swap3A_856] {strides = array<i32>} : memref<16x1024xf32, #tpu.memory_space<vmem>>, vector<16xf32>,
        tpu.vector_store %arg7[%swap3A_855, %swap3A_856], %add3A_853 {strides = array<i32>} : memref<16x1024xf32, #tpu.memory_space<vmem>>, vector<16xf32>,
        %broadcast_in_dim3A_858 = arith.constant 2 : i32
        %broadcast_in_dim3A_859 = vector.broadcast %broadcast_in_dim3A_858 : i32 to vector<16xi32>
        %gather3A_860 = tpu.vector_load_idx %arg5[%broadcast_in_dim3A_859, %sub3A_834] : memref<16x1280xf32, #tpu.memory_space<vmem>>[vector<16xi32>, vector<16xi32>], vector<16xf32>,
        %gather3A_861 = tpu.vector_load_idx %arg5[%broadcast_in_dim3A_859, %sub3A_836] : memref<16x1280xf32, #tpu.memory_space<vmem>>[vector<16xi32>, vector<16xi32>], vector<16xf32>,
        %mul3A_862 = arith.mulf %sub3A_830, %gather3A_860 : vector<16xf32>
        %mul3A_863 = arith.mulf %sub3A_832, %gather3A_861 : vector<16xf32>
        %add3A_864 = arith.addf %mul3A_862, %mul3A_863 : vector<16xf32>
        %swap3A_865 = arith.constant 2 : i32
        %swap3A_866 = arith.index_cast %swap3A_865 : i32 to index
        %swap3A_867 = arith.index_cast %mul3A_838 : i32 to index
        %swap3A_868 = tpu.vector_load %arg7[%swap3A_866, %swap3A_867] {strides = array<i32>} : memref<16x1024xf32, #tpu.memory_space<vmem>>, vector<16xf32>,
        tpu.vector_store %arg7[%swap3A_866, %swap3A_867], %add3A_864 {strides = array<i32>} : memref<16x1024xf32, #tpu.memory_space<vmem>>, vector<16xf32>,
        %broadcast_in_dim3A_869 = arith.constant 3 : i32
        %broadcast_in_dim3A_870 = vector.broadcast %broadcast_in_dim3A_869 : i32 to vector<16xi32>
        %gather3A_871 = tpu.vector_load_idx %arg5[%broadcast_in_dim3A_870, %sub3A_834] : memref<16x1280xf32, #tpu.memory_space<vmem>>[vector<16xi32>, vector<16xi32>], vector<16xf32>,
        %gather3A_872 = tpu.vector_load_idx %arg5[%broadcast_in_dim3A_870, %sub3A_836] : memref<16x1280xf32, #tpu.memory_space<vmem>>[vector<16xi32>, vector<16xi32>], vector<16xf32>,
        %mul3A_873 = arith.mulf %sub3A_830, %gather3A_871 : vector<16xf32>
        %mul3A_874 = arith.mulf %sub3A_832, %gather3A_872 : vector<16xf32>
        %add3A_875 = arith.addf %mul3A_873, %mul3A_874 : vector<16xf32>
        %swap3A_876 = arith.constant 3 : i32
        %swap3A_877 = arith.index_cast %swap3A_876 : i32 to index
        %swap3A_878 = arith.index_cast %mul3A_838 : i32 to index
        %swap3A_879 = tpu.vector_load %arg7[%swap3A_877, %swap3A_878] {strides = array<i32>} : memref<16x1024xf32, #tpu.memory_space<vmem>>, vector<16xf32>,
        tpu.vector_store %arg7[%swap3A_877, %swap3A_878], %add3A_875 {strides = array<i32>} : memref<16x1024xf32, #tpu.memory_space<vmem>>, vector<16xf32>,
        %broadcast_in_dim3A_880 = arith.constant 4 : i32
        %broadcast_in_dim3A_881 = vector.broadcast %broadcast_in_dim3A_880 : i32 to vector<16xi32>
        %gather3A_882 = tpu.vector_load_idx %arg5[%broadcast_in_dim3A_881, %sub3A_834] : memref<16x1280xf32, #tpu.memory_space<vmem>>[vector<16xi32>, vector<16xi32>], vector<16xf32>,
        %gather3A_883 = tpu.vector_load_idx %arg5[%broadcast_in_dim3A_881, %sub3A_836] : memref<16x1280xf32, #tpu.memory_space<vmem>>[vector<16xi32>, vector<16xi32>], vector<16xf32>,
        %mul3A_884 = arith.mulf %sub3A_830, %gather3A_882 : vector<16xf32>
        %mul3A_885 = arith.mulf %sub3A_832, %gather3A_883 : vector<16xf32>
        %add3A_886 = arith.addf %mul3A_884, %mul3A_885 : vector<16xf32>
        %swap3A_887 = arith.constant 4 : i32
        %swap3A_888 = arith.index_cast %swap3A_887 : i32 to index
        %swap3A_889 = arith.index_cast %mul3A_838 : i32 to index
        %swap3A_890 = tpu.vector_load %arg7[%swap3A_888, %swap3A_889] {strides = array<i32>} : memref<16x1024xf32, #tpu.memory_space<vmem>>, vector<16xf32>,
        tpu.vector_store %arg7[%swap3A_888, %swap3A_889], %add3A_886 {strides = array<i32>} : memref<16x1024xf32, #tpu.memory_space<vmem>>, vector<16xf32>,
        %broadcast_in_dim3A_891 = arith.constant 5 : i32
        %broadcast_in_dim3A_892 = vector.broadcast %broadcast_in_dim3A_891 : i32 to vector<16xi32>
        %gather3A_893 = tpu.vector_load_idx %arg5[%broadcast_in_dim3A_892, %sub3A_834] : memref<16x1280xf32, #tpu.memory_space<vmem>>[vector<16xi32>, vector<16xi32>], vector<16xf32>,
        %gather3A_894 = tpu.vector_load_idx %arg5[%broadcast_in_dim3A_892, %sub3A_836] : memref<16x1280xf32, #tpu.memory_space<vmem>>[vector<16xi32>, vector<16xi32>], vector<16xf32>,
        %mul3A_895 = arith.mulf %sub3A_830, %gather3A_893 : vector<16xf32>
        %mul3A_896 = arith.mulf %sub3A_832, %gather3A_894 : vector<16xf32>
        %add3A_897 = arith.addf %mul3A_895, %mul3A_896 : vector<16xf32>
        %swap3A_898 = arith.constant 5 : i32
        %swap3A_899 = arith.index_cast %swap3A_898 : i32 to index
        %swap3A_900 = arith.index_cast %mul3A_838 : i32 to index
        %swap3A_901 = tpu.vector_load %arg7[%swap3A_899, %swap3A_900] {strides = array<i32>} : memref<16x1024xf32, #tpu.memory_space<vmem>>, vector<16xf32>,
        tpu.vector_store %arg7[%swap3A_899, %swap3A_900], %add3A_897 {strides = array<i32>} : memref<16x1024xf32, #tpu.memory_space<vmem>>, vector<16xf32>,
        %broadcast_in_dim3A_902 = arith.constant 6 : i32
        %broadcast_in_dim3A_903 = vector.broadcast %broadcast_in_dim3A_902 : i32 to vector<16xi32>
        %gather3A_904 = tpu.vector_load_idx %arg5[%broadcast_in_dim3A_903, %sub3A_834] : memref<16x1280xf32, #tpu.memory_space<vmem>>[vector<16xi32>, vector<16xi32>], vector<16xf32>,
        %gather3A_905 = tpu.vector_load_idx %arg5[%broadcast_in_dim3A_903, %sub3A_836] : memref<16x1280xf32, #tpu.memory_space<vmem>>[vector<16xi32>, vector<16xi32>], vector<16xf32>,
        %mul3A_906 = arith.mulf %sub3A_830, %gather3A_904 : vector<16xf32>
        %mul3A_907 = arith.mulf %sub3A_832, %gather3A_905 : vector<16xf32>
        %add3A_908 = arith.addf %mul3A_906, %mul3A_907 : vector<16xf32>
        %swap3A_909 = arith.constant 6 : i32
        %swap3A_910 = arith.index_cast %swap3A_909 : i32 to index
        %swap3A_911 = arith.index_cast %mul3A_838 : i32 to index
        %swap3A_912 = tpu.vector_load %arg7[%swap3A_910, %swap3A_911] {strides = array<i32>} : memref<16x1024xf32, #tpu.memory_space<vmem>>, vector<16xf32>,
        tpu.vector_store %arg7[%swap3A_910, %swap3A_911], %add3A_908 {strides = array<i32>} : memref<16x1024xf32, #tpu.memory_space<vmem>>, vector<16xf32>,
        %broadcast_in_dim3A_913 = arith.constant 7 : i32
        %broadcast_in_dim3A_914 = vector.broadcast %broadcast_in_dim3A_913 : i32 to vector<16xi32>
        %gather3A_915 = tpu.vector_load_idx %arg5[%broadcast_in_dim3A_914, %sub3A_834] : memref<16x1280xf32, #tpu.memory_space<vmem>>[vector<16xi32>, vector<16xi32>], vector<16xf32>,
        %gather3A_916 = tpu.vector_load_idx %arg5[%broadcast_in_dim3A_914, %sub3A_836] : memref<16x1280xf32, #tpu.memory_space<vmem>>[vector<16xi32>, vector<16xi32>], vector<16xf32>,
        %mul3A_917 = arith.mulf %sub3A_830, %gather3A_915 : vector<16xf32>
        %mul3A_918 = arith.mulf %sub3A_832, %gather3A_916 : vector<16xf32>
        %add3A_919 = arith.addf %mul3A_917, %mul3A_918 : vector<16xf32>
        %swap3A_920 = arith.constant 7 : i32
        %swap3A_921 = arith.index_cast %swap3A_920 : i32 to index
        %swap3A_922 = arith.index_cast %mul3A_838 : i32 to index
        %swap3A_923 = tpu.vector_load %arg7[%swap3A_921, %swap3A_922] {strides = array<i32>} : memref<16x1024xf32, #tpu.memory_space<vmem>>, vector<16xf32>,
        tpu.vector_store %arg7[%swap3A_921, %swap3A_922], %add3A_919 {strides = array<i32>} : memref<16x1024xf32, #tpu.memory_space<vmem>>, vector<16xf32>,
        %broadcast_in_dim3A_924 = arith.constant 8 : i32
        %broadcast_in_dim3A_925 = vector.broadcast %broadcast_in_dim3A_924 : i32 to vector<16xi32>
        %gather3A_926 = tpu.vector_load_idx %arg5[%broadcast_in_dim3A_925, %sub3A_834] : memref<16x1280xf32, #tpu.memory_space<vmem>>[vector<16xi32>, vector<16xi32>], vector<16xf32>,
        %gather3A_927 = tpu.vector_load_idx %arg5[%broadcast_in_dim3A_925, %sub3A_836] : memref<16x1280xf32, #tpu.memory_space<vmem>>[vector<16xi32>, vector<16xi32>], vector<16xf32>,
        %mul3A_928 = arith.mulf %sub3A_830, %gather3A_926 : vector<16xf32>
        %mul3A_929 = arith.mulf %sub3A_832, %gather3A_927 : vector<16xf32>
        %add3A_930 = arith.addf %mul3A_928, %mul3A_929 : vector<16xf32>
        %swap3A_931 = arith.constant 8 : i32
        %swap3A_932 = arith.index_cast %swap3A_931 : i32 to index
        %swap3A_933 = arith.index_cast %mul3A_838 : i32 to index
        %swap3A_934 = tpu.vector_load %arg7[%swap3A_932, %swap3A_933] {strides = array<i32>} : memref<16x1024xf32, #tpu.memory_space<vmem>>, vector<16xf32>,
        tpu.vector_store %arg7[%swap3A_932, %swap3A_933], %add3A_930 {strides = array<i32>} : memref<16x1024xf32, #tpu.memory_space<vmem>>, vector<16xf32>,
        %broadcast_in_dim3A_935 = arith.constant 9 : i32
        %broadcast_in_dim3A_936 = vector.broadcast %broadcast_in_dim3A_935 : i32 to vector<16xi32>
        %gather3A_937 = tpu.vector_load_idx %arg5[%broadcast_in_dim3A_936, %sub3A_834] : memref<16x1280xf32, #tpu.memory_space<vmem>>[vector<16xi32>, vector<16xi32>], vector<16xf32>,
        %gather3A_938 = tpu.vector_load_idx %arg5[%broadcast_in_dim3A_936, %sub3A_836] : memref<16x1280xf32, #tpu.memory_space<vmem>>[vector<16xi32>, vector<16xi32>], vector<16xf32>,
        %mul3A_939 = arith.mulf %sub3A_830, %gather3A_937 : vector<16xf32>
        %mul3A_940 = arith.mulf %sub3A_832, %gather3A_938 : vector<16xf32>
        %add3A_941 = arith.addf %mul3A_939, %mul3A_940 : vector<16xf32>
        %swap3A_942 = arith.constant 9 : i32
        %swap3A_943 = arith.index_cast %swap3A_942 : i32 to index
        %swap3A_944 = arith.index_cast %mul3A_838 : i32 to index
        %swap3A_945 = tpu.vector_load %arg7[%swap3A_943, %swap3A_944] {strides = array<i32>} : memref<16x1024xf32, #tpu.memory_space<vmem>>, vector<16xf32>,
        tpu.vector_store %arg7[%swap3A_943, %swap3A_944], %add3A_941 {strides = array<i32>} : memref<16x1024xf32, #tpu.memory_space<vmem>>, vector<16xf32>,
        %broadcast_in_dim3A_946 = arith.constant 10 : i32
        %broadcast_in_dim3A_947 = vector.broadcast %broadcast_in_dim3A_946 : i32 to vector<16xi32>
        %gather3A_948 = tpu.vector_load_idx %arg5[%broadcast_in_dim3A_947, %sub3A_834] : memref<16x1280xf32, #tpu.memory_space<vmem>>[vector<16xi32>, vector<16xi32>], vector<16xf32>,
        %gather3A_949 = tpu.vector_load_idx %arg5[%broadcast_in_dim3A_947, %sub3A_836] : memref<16x1280xf32, #tpu.memory_space<vmem>>[vector<16xi32>, vector<16xi32>], vector<16xf32>,
        %mul3A_950 = arith.mulf %sub3A_830, %gather3A_948 : vector<16xf32>
        %mul3A_951 = arith.mulf %sub3A_832, %gather3A_949 : vector<16xf32>
        %add3A_952 = arith.addf %mul3A_950, %mul3A_951 : vector<16xf32>
        %swap3A_953 = arith.constant 10 : i32
        %swap3A_954 = arith.index_cast %swap3A_953 : i32 to index
        %swap3A_955 = arith.index_cast %mul3A_838 : i32 to index
        %swap3A_956 = tpu.vector_load %arg7[%swap3A_954, %swap3A_955] {strides = array<i32>} : memref<16x1024xf32, #tpu.memory_space<vmem>>, vector<16xf32>,
        tpu.vector_store %arg7[%swap3A_954, %swap3A_955], %add3A_952 {strides = array<i32>} : memref<16x1024xf32, #tpu.memory_space<vmem>>, vector<16xf32>,
        %broadcast_in_dim3A_957 = arith.constant 11 : i32
        %broadcast_in_dim3A_958 = vector.broadcast %broadcast_in_dim3A_957 : i32 to vector<16xi32>
        %gather3A_959 = tpu.vector_load_idx %arg5[%broadcast_in_dim3A_958, %sub3A_834] : memref<16x1280xf32, #tpu.memory_space<vmem>>[vector<16xi32>, vector<16xi32>], vector<16xf32>,
        %gather3A_960 = tpu.vector_load_idx %arg5[%broadcast_in_dim3A_958, %sub3A_836] : memref<16x1280xf32, #tpu.memory_space<vmem>>[vector<16xi32>, vector<16xi32>], vector<16xf32>,
        %mul3A_961 = arith.mulf %sub3A_830, %gather3A_959 : vector<16xf32>
        %mul3A_962 = arith.mulf %sub3A_832, %gather3A_960 : vector<16xf32>
        %add3A_963 = arith.addf %mul3A_961, %mul3A_962 : vector<16xf32>
        %swap3A_964 = arith.constant 11 : i32
        %swap3A_965 = arith.index_cast %swap3A_964 : i32 to index
        %swap3A_966 = arith.index_cast %mul3A_838 : i32 to index
        %swap3A_967 = tpu.vector_load %arg7[%swap3A_965, %swap3A_966] {strides = array<i32>} : memref<16x1024xf32, #tpu.memory_space<vmem>>, vector<16xf32>,
        tpu.vector_store %arg7[%swap3A_965, %swap3A_966], %add3A_963 {strides = array<i32>} : memref<16x1024xf32, #tpu.memory_space<vmem>>, vector<16xf32>,
        %broadcast_in_dim3A_968 = arith.constant 12 : i32
        %broadcast_in_dim3A_969 = vector.broadcast %broadcast_in_dim3A_968 : i32 to vector<16xi32>
        %gather3A_970 = tpu.vector_load_idx %arg5[%broadcast_in_dim3A_969, %sub3A_834] : memref<16x1280xf32, #tpu.memory_space<vmem>>[vector<16xi32>, vector<16xi32>], vector<16xf32>,
        %gather3A_971 = tpu.vector_load_idx %arg5[%broadcast_in_dim3A_969, %sub3A_836] : memref<16x1280xf32, #tpu.memory_space<vmem>>[vector<16xi32>, vector<16xi32>], vector<16xf32>,
        %mul3A_972 = arith.mulf %sub3A_830, %gather3A_970 : vector<16xf32>
        %mul3A_973 = arith.mulf %sub3A_832, %gather3A_971 : vector<16xf32>
        %add3A_974 = arith.addf %mul3A_972, %mul3A_973 : vector<16xf32>
        %swap3A_975 = arith.constant 12 : i32
        %swap3A_976 = arith.index_cast %swap3A_975 : i32 to index
        %swap3A_977 = arith.index_cast %mul3A_838 : i32 to index
        %swap3A_978 = tpu.vector_load %arg7[%swap3A_976, %swap3A_977] {strides = array<i32>} : memref<16x1024xf32, #tpu.memory_space<vmem>>, vector<16xf32>,
        tpu.vector_store %arg7[%swap3A_976, %swap3A_977], %add3A_974 {strides = array<i32>} : memref<16x1024xf32, #tpu.memory_space<vmem>>, vector<16xf32>,
        %broadcast_in_dim3A_979 = arith.constant 13 : i32
        %broadcast_in_dim3A_980 = vector.broadcast %broadcast_in_dim3A_979 : i32 to vector<16xi32>
        %gather3A_981 = tpu.vector_load_idx %arg5[%broadcast_in_dim3A_980, %sub3A_834] : memref<16x1280xf32, #tpu.memory_space<vmem>>[vector<16xi32>, vector<16xi32>], vector<16xf32>,
        %gather3A_982 = tpu.vector_load_idx %arg5[%broadcast_in_dim3A_980, %sub3A_836] : memref<16x1280xf32, #tpu.memory_space<vmem>>[vector<16xi32>, vector<16xi32>], vector<16xf32>,
        %mul3A_983 = arith.mulf %sub3A_830, %gather3A_981 : vector<16xf32>
        %mul3A_984 = arith.mulf %sub3A_832, %gather3A_982 : vector<16xf32>
        %add3A_985 = arith.addf %mul3A_983, %mul3A_984 : vector<16xf32>
        %swap3A_986 = arith.constant 13 : i32
        %swap3A_987 = arith.index_cast %swap3A_986 : i32 to index
        %swap3A_988 = arith.index_cast %mul3A_838 : i32 to index
        %swap3A_989 = tpu.vector_load %arg7[%swap3A_987, %swap3A_988] {strides = array<i32>} : memref<16x1024xf32, #tpu.memory_space<vmem>>, vector<16xf32>,
        tpu.vector_store %arg7[%swap3A_987, %swap3A_988], %add3A_985 {strides = array<i32>} : memref<16x1024xf32, #tpu.memory_space<vmem>>, vector<16xf32>,
        %broadcast_in_dim3A_990 = arith.constant 14 : i32
        %broadcast_in_dim3A_991 = vector.broadcast %broadcast_in_dim3A_990 : i32 to vector<16xi32>
        %gather3A_992 = tpu.vector_load_idx %arg5[%broadcast_in_dim3A_991, %sub3A_834] : memref<16x1280xf32, #tpu.memory_space<vmem>>[vector<16xi32>, vector<16xi32>], vector<16xf32>,
        %gather3A_993 = tpu.vector_load_idx %arg5[%broadcast_in_dim3A_991, %sub3A_836] : memref<16x1280xf32, #tpu.memory_space<vmem>>[vector<16xi32>, vector<16xi32>], vector<16xf32>,
        %mul3A_994 = arith.mulf %sub3A_830, %gather3A_992 : vector<16xf32>
        %mul3A_995 = arith.mulf %sub3A_832, %gather3A_993 : vector<16xf32>
        %add3A_996 = arith.addf %mul3A_994, %mul3A_995 : vector<16xf32>
        %swap3A_997 = arith.constant 14 : i32
        %swap3A_998 = arith.index_cast %swap3A_997 : i32 to index
        %swap3A_999 = arith.index_cast %mul3A_838 : i32 to index
        %swap3A_1000 = tpu.vector_load %arg7[%swap3A_998, %swap3A_999] {strides = array<i32>} : memref<16x1024xf32, #tpu.memory_space<vmem>>, vector<16xf32>,
        tpu.vector_store %arg7[%swap3A_998, %swap3A_999], %add3A_996 {strides = array<i32>} : memref<16x1024xf32, #tpu.memory_space<vmem>>, vector<16xf32>,
        %broadcast_in_dim3A_1001 = arith.constant 15 : i32
        %broadcast_in_dim3A_1002 = vector.broadcast %broadcast_in_dim3A_1001 : i32 to vector<16xi32>
        %gather3A_1003 = tpu.vector_load_idx %arg5[%broadcast_in_dim3A_1002, %sub3A_834] : memref<16x1280xf32, #tpu.memory_space<vmem>>[vector<16xi32>, vector<16xi32>], vector<16xf32>,
        %gather3A_1004 = tpu.vector_load_idx %arg5[%broadcast_in_dim3A_1002, %sub3A_836] : memref<16x1280xf32, #tpu.memory_space<vmem>>[vector<16xi32>, vector<16xi32>], vector<16xf32>,
        %mul3A_1005 = arith.mulf %sub3A_830, %gather3A_1003 : vector<16xf32>
        %mul3A_1006 = arith.mulf %sub3A_832, %gather3A_1004 : vector<16xf32>
        %add3A_1007 = arith.addf %mul3A_1005, %mul3A_1006 : vector<16xf32>
        %swap3A_1008 = arith.constant 15 : i32
        %swap3A_1009 = arith.index_cast %swap3A_1008 : i32 to index
        %swap3A_1010 = arith.index_cast %mul3A_838 : i32 to index
        %swap3A_1011 = tpu.vector_load %arg7[%swap3A_1009, %swap3A_1010] {strides = array<i32>} : memref<16x1024xf32, #tpu.memory_space<vmem>>, vector<16xf32>,
        tpu.vector_store %arg7[%swap3A_1009, %swap3A_1010], %add3A_1007 {strides = array<i32>} : memref<16x1024xf32, #tpu.memory_space<vmem>>, vector<16xf32>,
      }
      %scan3A_424 = arith.constant 64 : i32
      %mul3A_425 = arith.constant 16 : i32
      %mul3A_426 = arith.muli %add3A, %mul3A_425 : i32
      %add3A_427 = arith.addi %mul3A_426, %add3A_242 : i32
      %jit3A_428 = arith.constant 8 : i32
      %div3A_429 = arith.divsi %add3A_427, %jit3A_428 : i32
      %sign3A_430 = arith.constant 0 : i32
      %sign3A_431 = arith.cmpi sgt, %add3A_427, %sign3A_430 : i32
      %sign3A_432 = arith.extui %sign3A_431 : i1 to i32
      %sign3A_433 = arith.constant 0 : i32
      %sign3A_434 = arith.cmpi slt, %add3A_427, %sign3A_433 : i32
      %sign3A_435 = arith.extui %sign3A_434 : i1 to i32
      %sign3A_436 = arith.subi %sign3A_432, %sign3A_435 : i32
      %sign3A_437 = arith.constant 0 : i32
      %sign3A_438 = arith.cmpi sgt, %jit3A_428, %sign3A_437 : i32
      %sign3A_439 = arith.extui %sign3A_438 : i1 to i32
      %sign3A_440 = arith.constant 0 : i32
      %sign3A_441 = arith.cmpi slt, %jit3A_428, %sign3A_440 : i32
      %sign3A_442 = arith.extui %sign3A_441 : i1 to i32
      %sign3A_443 = arith.subi %sign3A_439, %sign3A_442 : i32
      %ne3A_444 = arith.cmpi ne, %sign3A_436, %sign3A_443 : i32
      %rem3A_445 = arith.remsi %add3A_427, %jit3A_428 : i32
      %ne3A_446 = arith.constant 0 : i32
      %ne3A_447 = arith.cmpi ne, %rem3A_445, %ne3A_446 : i32
      %and3A_448 = arith.andi %ne3A_444, %ne3A_447 : i1
      %sub3A_449 = arith.constant 1 : i32
      %sub3A_450 = arith.subi %div3A_429, %sub3A_449 : i32
      %select_n3A_451 = arith.select %and3A_448, %sub3A_450, %div3A_429 : i32
      %jit3A_452 = arith.constant 8 : i32
      %eq3A_453 = arith.constant 0 : i32
      %eq3A_454 = arith.cmpi eq, %jit3A_452, %eq3A_453 : i32
      %jit3A_455 = arith.constant 1 : i32
      %select_n3A_456 = arith.select %eq3A_454, %jit3A_455, %jit3A_452 : i32
      %rem3A_457 = arith.remsi %add3A_427, %select_n3A_456 : i32
      %ne3A_458 = arith.constant 0 : i32
      %ne3A_459 = arith.cmpi ne, %rem3A_457, %ne3A_458 : i32
      %lt3A_460 = arith.constant 0 : i32
      %lt3A_461 = arith.cmpi slt, %rem3A_457, %lt3A_460 : i32
      %lt3A_462 = arith.constant 0 : i32
      %lt3A_463 = arith.cmpi slt, %select_n3A_456, %lt3A_462 : i32
      %ne3A_464 = arith.xori %lt3A_461, %lt3A_463 : i1
      %and3A_465 = arith.andi %ne3A_464, %ne3A_459 : i1
      %add3A_466 = arith.addi %rem3A_457, %select_n3A_456 : i32
      %select_n3A_467 = arith.select %and3A_465, %add3A_466, %rem3A_457 : i32
      %mul3A_468 = arith.constant 1024 : i32
      %mul3A_469 = arith.muli %select_n3A_467, %mul3A_468 : i32
      %multiple_of3A_470 = tpu.assume_multiple %mul3A_469, 1024 : i32
      %sub3A_471 = arith.constant 128 : i32
      %sub3A_472 = arith.subi %multiple_of3A_470, %sub3A_471 : i32
      %jit3A_473 = arith.constant 0 : i32
      %jit3A_474 = arith.constant 6912 : i32
      %max3A_475 = arith.maxsi %jit3A_473, %sub3A_472 : i32
      %min3A_476 = arith.minsi %jit3A_474, %max3A_475 : i32
      %multiple_of3A_477 = tpu.assume_multiple %min3A_476, 128 : i32
      %dma_start3A_478 = arith.constant 0 : i32
      %dma_start3A_479 = tpu.memref_slice %arg4[%select_n3A_451, %dma_start3A_478, %multiple_of3A_470] : memref<64x16x8192xf32, #tpu.memory_space<hbm>> -> memref<1x16x1024xf32, #tpu.memory_space<hbm>>
      %dma_start3A_480 = tpu.memref_squeeze %dma_start3A_479 : memref<1x16x1024xf32, #tpu.memory_space<hbm>> -> memref<16x1024xf32, #tpu.memory_space<hbm>>
      %dma_start3A_481 = arith.constant 0 : i32
      %dma_start3A_482 = tpu.memref_slice %arg4[%select_n3A_451, %dma_start3A_481, %multiple_of3A_470] : memref<64x16x8192xf32, #tpu.memory_space<hbm>> -> memref<1x16x1024xf32, #tpu.memory_space<hbm>>
      %dma_start3A_483 = tpu.memref_squeeze %dma_start3A_482 : memref<1x16x1024xf32, #tpu.memory_space<hbm>> -> memref<16x1024xf32, #tpu.memory_space<hbm>>
      tpu.enqueue_dma source(%arg7 : memref<16x1024xf32, #tpu.memory_space<vmem>>) target(%dma_start3A_483 : memref<16x1024xf32, #tpu.memory_space<hbm>>) target_semaphore(%arg12 : memref<!tpu.dma_semaphore, #tpu.memory_space<semaphore_mem>>)
      %mul3A_484 = arith.constant 2 : i32
      %mul3A_485 = arith.muli %scan3A_238, %mul3A_484 : i32
      %add3A_486 = arith.constant 1 : i32
      %add3A_487 = arith.addi %mul3A_485, %add3A_486 : i32
      %mul3A_488 = arith.constant 16 : i32
      %mul3A_489 = arith.muli %add3A, %mul3A_488 : i32
      %add3A_490 = arith.addi %mul3A_489, %add3A_487 : i32
      %jit3A_491 = arith.constant 8 : i32
      %div3A_492 = arith.divsi %add3A_490, %jit3A_491 : i32
      %sign3A_493 = arith.constant 0 : i32
      %sign3A_494 = arith.cmpi sgt, %add3A_490, %sign3A_493 : i32
      %sign3A_495 = arith.extui %sign3A_494 : i1 to i32
      %sign3A_496 = arith.constant 0 : i32
      %sign3A_497 = arith.cmpi slt, %add3A_490, %sign3A_496 : i32
      %sign3A_498 = arith.extui %sign3A_497 : i1 to i32
      %sign3A_499 = arith.subi %sign3A_495, %sign3A_498 : i32
      %sign3A_500 = arith.constant 0 : i32
      %sign3A_501 = arith.cmpi sgt, %jit3A_491, %sign3A_500 : i32
      %sign3A_502 = arith.extui %sign3A_501 : i1 to i32
      %sign3A_503 = arith.constant 0 : i32
      %sign3A_504 = arith.cmpi slt, %jit3A_491, %sign3A_503 : i32
      %sign3A_505 = arith.extui %sign3A_504 : i1 to i32
      %sign3A_506 = arith.subi %sign3A_502, %sign3A_505 : i32
      %ne3A_507 = arith.cmpi ne, %sign3A_499, %sign3A_506 : i32
      %rem3A_508 = arith.remsi %add3A_490, %jit3A_491 : i32
      %ne3A_509 = arith.constant 0 : i32
      %ne3A_510 = arith.cmpi ne, %rem3A_508, %ne3A_509 : i32
      %and3A_511 = arith.andi %ne3A_507, %ne3A_510 : i1
      %sub3A_512 = arith.constant 1 : i32
      %sub3A_513 = arith.subi %div3A_492, %sub3A_512 : i32
      %select_n3A_514 = arith.select %and3A_511, %sub3A_513, %div3A_492 : i32
      %jit3A_515 = arith.constant 8 : i32
      %eq3A_516 = arith.constant 0 : i32
      %eq3A_517 = arith.cmpi eq, %jit3A_515, %eq3A_516 : i32
      %jit3A_518 = arith.constant 1 : i32
      %select_n3A_519 = arith.select %eq3A_517, %jit3A_518, %jit3A_515 : i32
      %rem3A_520 = arith.remsi %add3A_490, %select_n3A_519 : i32
      %ne3A_521 = arith.constant 0 : i32
      %ne3A_522 = arith.cmpi ne, %rem3A_520, %ne3A_521 : i32
      %lt3A_523 = arith.constant 0 : i32
      %lt3A_524 = arith.cmpi slt, %rem3A_520, %lt3A_523 : i32
      %lt3A_525 = arith.constant 0 : i32
      %lt3A_526 = arith.cmpi slt, %select_n3A_519, %lt3A_525 : i32
      %ne3A_527 = arith.xori %lt3A_524, %lt3A_526 : i1
      %and3A_528 = arith.andi %ne3A_527, %ne3A_522 : i1
      %add3A_529 = arith.addi %rem3A_520, %select_n3A_519 : i32
      %select_n3A_530 = arith.select %and3A_528, %add3A_529, %rem3A_520 : i32
      %mul3A_531 = arith.constant 1024 : i32
      %mul3A_532 = arith.muli %select_n3A_530, %mul3A_531 : i32
      %multiple_of3A_533 = tpu.assume_multiple %mul3A_532, 1024 : i32
      %sub3A_534 = arith.constant 128 : i32
      %sub3A_535 = arith.subi %multiple_of3A_533, %sub3A_534 : i32
      %jit3A_536 = arith.constant 0 : i32
      %jit3A_537 = arith.constant 6912 : i32
      %max3A_538 = arith.maxsi %jit3A_536, %sub3A_535 : i32
      %min3A_539 = arith.minsi %jit3A_537, %max3A_538 : i32
      %multiple_of3A_540 = tpu.assume_multiple %min3A_539, 128 : i32
      %dma_wait3A_541 = arith.constant 0 : i32
      %dma_wait3A_542 = tpu.memref_slice %arg2[%select_n3A_514, %dma_wait3A_541, %multiple_of3A_540] : memref<64x16x8192xf32, #tpu.memory_space<hbm>> -> memref<1x16x1280xf32, #tpu.memory_space<hbm>>
      %dma_wait3A_543 = tpu.memref_squeeze %dma_wait3A_542 : memref<1x16x1280xf32, #tpu.memory_space<hbm>> -> memref<16x1280xf32, #tpu.memory_space<hbm>>
      %dma_wait3A_544 = arith.constant 0 : i32
      %dma_wait3A_545 = tpu.memref_slice %arg2[%select_n3A_514, %dma_wait3A_544, %multiple_of3A_540] : memref<64x16x8192xf32, #tpu.memory_space<hbm>> -> memref<1x16x1280xf32, #tpu.memory_space<hbm>>
      %dma_wait3A_546 = tpu.memref_squeeze %dma_wait3A_545 : memref<1x16x1280xf32, #tpu.memory_space<hbm>> -> memref<16x1280xf32, #tpu.memory_space<hbm>>
      tpu.wait_dma2 semaphore(%arg11 : memref<!tpu.dma_semaphore, #tpu.memory_space<semaphore_mem>>) src(%dma_wait3A_546 : memref<16x1280xf32, #tpu.memory_space<hbm>>) dst(%arg6 : memref<16x1280xf32, #tpu.memory_space<vmem>>)
      %lt3A_547 = arith.constant 7 : i32
      %lt3A_548 = arith.cmpi slt, %scan3A_238, %lt3A_547 : i32
      %convert_element_type3A_549 = arith.extui %lt3A_548 : i1 to i32
      %cond3A_550 = arith.constant 0 : i32
      %cond3A_551 = arith.cmpi ne, %convert_element_type3A_549, %cond3A_550 : i32
      scf.if %cond3A_551 {
        %add3A_676 = arith.constant 1 : i32
        %add3A_677 = arith.addi %add3A_487, %add3A_676 : i32
        %mul3A_678 = arith.constant 16 : i32
        %mul3A_679 = arith.muli %add3A, %mul3A_678 : i32
        %add3A_680 = arith.addi %mul3A_679, %add3A_677 : i32
        %jit3A_681 = arith.constant 8 : i32
        %div3A_682 = arith.divsi %add3A_680, %jit3A_681 : i32
        %sign3A_683 = arith.constant 0 : i32
        %sign3A_684 = arith.cmpi sgt, %add3A_680, %sign3A_683 : i32
        %sign3A_685 = arith.extui %sign3A_684 : i1 to i32
        %sign3A_686 = arith.constant 0 : i32
        %sign3A_687 = arith.cmpi slt, %add3A_680, %sign3A_686 : i32
        %sign3A_688 = arith.extui %sign3A_687 : i1 to i32
        %sign3A_689 = arith.subi %sign3A_685, %sign3A_688 : i32
        %sign3A_690 = arith.constant 0 : i32
        %sign3A_691 = arith.cmpi sgt, %jit3A_681, %sign3A_690 : i32
        %sign3A_692 = arith.extui %sign3A_691 : i1 to i32
        %sign3A_693 = arith.constant 0 : i32
        %sign3A_694 = arith.cmpi slt, %jit3A_681, %sign3A_693 : i32
        %sign3A_695 = arith.extui %sign3A_694 : i1 to i32
        %sign3A_696 = arith.subi %sign3A_692, %sign3A_695 : i32
        %ne3A_697 = arith.cmpi ne, %sign3A_689, %sign3A_696 : i32
        %rem3A_698 = arith.remsi %add3A_680, %jit3A_681 : i32
        %ne3A_699 = arith.constant 0 : i32
        %ne3A_700 = arith.cmpi ne, %rem3A_698, %ne3A_699 : i32
        %and3A_701 = arith.andi %ne3A_697, %ne3A_700 : i1
        %sub3A_702 = arith.constant 1 : i32
        %sub3A_703 = arith.subi %div3A_682, %sub3A_702 : i32
        %select_n3A_704 = arith.select %and3A_701, %sub3A_703, %div3A_682 : i32
        %jit3A_705 = arith.constant 8 : i32
        %eq3A_706 = arith.constant 0 : i32
        %eq3A_707 = arith.cmpi eq, %jit3A_705, %eq3A_706 : i32
        %jit3A_708 = arith.constant 1 : i32
        %select_n3A_709 = arith.select %eq3A_707, %jit3A_708, %jit3A_705 : i32
        %rem3A_710 = arith.remsi %add3A_680, %select_n3A_709 : i32
        %ne3A_711 = arith.constant 0 : i32
        %ne3A_712 = arith.cmpi ne, %rem3A_710, %ne3A_711 : i32
        %lt3A_713 = arith.constant 0 : i32
        %lt3A_714 = arith.cmpi slt, %rem3A_710, %lt3A_713 : i32
        %lt3A_715 = arith.constant 0 : i32
        %lt3A_716 = arith.cmpi slt, %select_n3A_709, %lt3A_715 : i32
        %ne3A_717 = arith.xori %lt3A_714, %lt3A_716 : i1
        %and3A_718 = arith.andi %ne3A_717, %ne3A_712 : i1
        %add3A_719 = arith.addi %rem3A_710, %select_n3A_709 : i32
        %select_n3A_720 = arith.select %and3A_718, %add3A_719, %rem3A_710 : i32
        %mul3A_721 = arith.constant 1024 : i32
        %mul3A_722 = arith.muli %select_n3A_720, %mul3A_721 : i32
        %multiple_of3A_723 = tpu.assume_multiple %mul3A_722, 1024 : i32
        %sub3A_724 = arith.constant 128 : i32
        %sub3A_725 = arith.subi %multiple_of3A_723, %sub3A_724 : i32
        %jit3A_726 = arith.constant 0 : i32
        %jit3A_727 = arith.constant 6912 : i32
        %max3A_728 = arith.maxsi %jit3A_726, %sub3A_725 : i32
        %min3A_729 = arith.minsi %jit3A_727, %max3A_728 : i32
        %multiple_of3A_730 = tpu.assume_multiple %min3A_729, 128 : i32
        %dma_start3A_731 = arith.constant 0 : i32
        %dma_start3A_732 = tpu.memref_slice %arg2[%select_n3A_704, %dma_start3A_731, %multiple_of3A_730] : memref<64x16x8192xf32, #tpu.memory_space<hbm>> -> memref<1x16x1280xf32, #tpu.memory_space<hbm>>
        %dma_start3A_733 = tpu.memref_squeeze %dma_start3A_732 : memref<1x16x1280xf32, #tpu.memory_space<hbm>> -> memref<16x1280xf32, #tpu.memory_space<hbm>>
        %dma_start3A_734 = arith.constant 0 : i32
        %dma_start3A_735 = tpu.memref_slice %arg2[%select_n3A_704, %dma_start3A_734, %multiple_of3A_730] : memref<64x16x8192xf32, #tpu.memory_space<hbm>> -> memref<1x16x1280xf32, #tpu.memory_space<hbm>>
        %dma_start3A_736 = tpu.memref_squeeze %dma_start3A_735 : memref<1x16x1280xf32, #tpu.memory_space<hbm>> -> memref<16x1280xf32, #tpu.memory_space<hbm>>
        tpu.enqueue_dma source(%dma_start3A_736 : memref<16x1280xf32, #tpu.memory_space<hbm>>) target(%arg5 : memref<16x1280xf32, #tpu.memory_space<vmem>>) target_semaphore(%arg10 : memref<!tpu.dma_semaphore, #tpu.memory_space<semaphore_mem>>)
      } else {
      }
      %gt3A_552 = arith.constant 0 : i32
      %gt3A_553 = arith.cmpi sgt, %scan3A_238, %gt3A_552 : i32
      %convert_element_type3A_554 = arith.extui %gt3A_553 : i1 to i32
      %cond3A_555 = arith.constant 0 : i32
      %cond3A_556 = arith.cmpi ne, %convert_element_type3A_554, %cond3A_555 : i32
      scf.if %cond3A_556 {
        %sub3A_676 = arith.constant 2 : i32
        %sub3A_677 = arith.subi %add3A_487, %sub3A_676 : i32
        %mul3A_678 = arith.constant 16 : i32
        %mul3A_679 = arith.muli %add3A, %mul3A_678 : i32
        %add3A_680 = arith.addi %mul3A_679, %sub3A_677 : i32
        %jit3A_681 = arith.constant 8 : i32
        %div3A_682 = arith.divsi %add3A_680, %jit3A_681 : i32
        %sign3A_683 = arith.constant 0 : i32
        %sign3A_684 = arith.cmpi sgt, %add3A_680, %sign3A_683 : i32
        %sign3A_685 = arith.extui %sign3A_684 : i1 to i32
        %sign3A_686 = arith.constant 0 : i32
        %sign3A_687 = arith.cmpi slt, %add3A_680, %sign3A_686 : i32
        %sign3A_688 = arith.extui %sign3A_687 : i1 to i32
        %sign3A_689 = arith.subi %sign3A_685, %sign3A_688 : i32
        %sign3A_690 = arith.constant 0 : i32
        %sign3A_691 = arith.cmpi sgt, %jit3A_681, %sign3A_690 : i32
        %sign3A_692 = arith.extui %sign3A_691 : i1 to i32
        %sign3A_693 = arith.constant 0 : i32
        %sign3A_694 = arith.cmpi slt, %jit3A_681, %sign3A_693 : i32
        %sign3A_695 = arith.extui %sign3A_694 : i1 to i32
        %sign3A_696 = arith.subi %sign3A_692, %sign3A_695 : i32
        %ne3A_697 = arith.cmpi ne, %sign3A_689, %sign3A_696 : i32
        %rem3A_698 = arith.remsi %add3A_680, %jit3A_681 : i32
        %ne3A_699 = arith.constant 0 : i32
        %ne3A_700 = arith.cmpi ne, %rem3A_698, %ne3A_699 : i32
        %and3A_701 = arith.andi %ne3A_697, %ne3A_700 : i1
        %sub3A_702 = arith.constant 1 : i32
        %sub3A_703 = arith.subi %div3A_682, %sub3A_702 : i32
        %select_n3A_704 = arith.select %and3A_701, %sub3A_703, %div3A_682 : i32
        %jit3A_705 = arith.constant 8 : i32
        %eq3A_706 = arith.constant 0 : i32
        %eq3A_707 = arith.cmpi eq, %jit3A_705, %eq3A_706 : i32
        %jit3A_708 = arith.constant 1 : i32
        %select_n3A_709 = arith.select %eq3A_707, %jit3A_708, %jit3A_705 : i32
        %rem3A_710 = arith.remsi %add3A_680, %select_n3A_709 : i32
        %ne3A_711 = arith.constant 0 : i32
        %ne3A_712 = arith.cmpi ne, %rem3A_710, %ne3A_711 : i32
        %lt3A_713 = arith.constant 0 : i32
        %lt3A_714 = arith.cmpi slt, %rem3A_710, %lt3A_713 : i32
        %lt3A_715 = arith.constant 0 : i32
        %lt3A_716 = arith.cmpi slt, %select_n3A_709, %lt3A_715 : i32
        %ne3A_717 = arith.xori %lt3A_714, %lt3A_716 : i1
        %and3A_718 = arith.andi %ne3A_717, %ne3A_712 : i1
        %add3A_719 = arith.addi %rem3A_710, %select_n3A_709 : i32
        %select_n3A_720 = arith.select %and3A_718, %add3A_719, %rem3A_710 : i32
        %mul3A_721 = arith.constant 1024 : i32
        %mul3A_722 = arith.muli %select_n3A_720, %mul3A_721 : i32
        %multiple_of3A_723 = tpu.assume_multiple %mul3A_722, 1024 : i32
        %sub3A_724 = arith.constant 128 : i32
        %sub3A_725 = arith.subi %multiple_of3A_723, %sub3A_724 : i32
        %jit3A_726 = arith.constant 0 : i32
        %jit3A_727 = arith.constant 6912 : i32
        %max3A_728 = arith.maxsi %jit3A_726, %sub3A_725 : i32
        %min3A_729 = arith.minsi %jit3A_727, %max3A_728 : i32
        %multiple_of3A_730 = tpu.assume_multiple %min3A_729, 128 : i32
        %dma_wait3A_731 = arith.constant 0 : i32
        %dma_wait3A_732 = tpu.memref_slice %arg4[%select_n3A_704, %dma_wait3A_731, %multiple_of3A_723] : memref<64x16x8192xf32, #tpu.memory_space<hbm>> -> memref<1x16x1024xf32, #tpu.memory_space<hbm>>
        %dma_wait3A_733 = tpu.memref_squeeze %dma_wait3A_732 : memref<1x16x1024xf32, #tpu.memory_space<hbm>> -> memref<16x1024xf32, #tpu.memory_space<hbm>>
        %dma_wait3A_734 = arith.constant 0 : i32
        %dma_wait3A_735 = tpu.memref_slice %arg4[%select_n3A_704, %dma_wait3A_734, %multiple_of3A_723] : memref<64x16x8192xf32, #tpu.memory_space<hbm>> -> memref<1x16x1024xf32, #tpu.memory_space<hbm>>
        %dma_wait3A_736 = tpu.memref_squeeze %dma_wait3A_735 : memref<1x16x1024xf32, #tpu.memory_space<hbm>> -> memref<16x1024xf32, #tpu.memory_space<hbm>>
        tpu.wait_dma2 semaphore(%arg13 : memref<!tpu.dma_semaphore, #tpu.memory_space<semaphore_mem>>) src(%arg8 : memref<16x1024xf32, #tpu.memory_space<vmem>>) dst(%dma_wait3A_736 : memref<16x1024xf32, #tpu.memory_space<hbm>>)
      } else {
      }
      %mul3A_557 = arith.constant 16 : i32
      %mul3A_558 = arith.muli %add3A, %mul3A_557 : i32
      %add3A_559 = arith.addi %mul3A_558, %add3A_487 : i32
      %jit3A_560 = arith.constant 8 : i32
      %div3A_561 = arith.divsi %add3A_559, %jit3A_560 : i32
      %sign3A_562 = arith.constant 0 : i32
      %sign3A_563 = arith.cmpi sgt, %add3A_559, %sign3A_562 : i32
      %sign3A_564 = arith.extui %sign3A_563 : i1 to i32
      %sign3A_565 = arith.constant 0 : i32
      %sign3A_566 = arith.cmpi slt, %add3A_559, %sign3A_565 : i32
      %sign3A_567 = arith.extui %sign3A_566 : i1 to i32
      %sign3A_568 = arith.subi %sign3A_564, %sign3A_567 : i32
      %sign3A_569 = arith.constant 0 : i32
      %sign3A_570 = arith.cmpi sgt, %jit3A_560, %sign3A_569 : i32
      %sign3A_571 = arith.extui %sign3A_570 : i1 to i32
      %sign3A_572 = arith.constant 0 : i32
      %sign3A_573 = arith.cmpi slt, %jit3A_560, %sign3A_572 : i32
      %sign3A_574 = arith.extui %sign3A_573 : i1 to i32
      %sign3A_575 = arith.subi %sign3A_571, %sign3A_574 : i32
      %ne3A_576 = arith.cmpi ne, %sign3A_568, %sign3A_575 : i32
      %rem3A_577 = arith.remsi %add3A_559, %jit3A_560 : i32
      %ne3A_578 = arith.constant 0 : i32
      %ne3A_579 = arith.cmpi ne, %rem3A_577, %ne3A_578 : i32
      %and3A_580 = arith.andi %ne3A_576, %ne3A_579 : i1
      %sub3A_581 = arith.constant 1 : i32
      %sub3A_582 = arith.subi %div3A_561, %sub3A_581 : i32
      %select_n3A_583 = arith.select %and3A_580, %sub3A_582, %div3A_561 : i32
      %jit3A_584 = arith.constant 8 : i32
      %eq3A_585 = arith.constant 0 : i32
      %eq3A_586 = arith.cmpi eq, %jit3A_584, %eq3A_585 : i32
      %jit3A_587 = arith.constant 1 : i32
      %select_n3A_588 = arith.select %eq3A_586, %jit3A_587, %jit3A_584 : i32
      %rem3A_589 = arith.remsi %add3A_559, %select_n3A_588 : i32
      %ne3A_590 = arith.constant 0 : i32
      %ne3A_591 = arith.cmpi ne, %rem3A_589, %ne3A_590 : i32
      %lt3A_592 = arith.constant 0 : i32
      %lt3A_593 = arith.cmpi slt, %rem3A_589, %lt3A_592 : i32
      %lt3A_594 = arith.constant 0 : i32
      %lt3A_595 = arith.cmpi slt, %select_n3A_588, %lt3A_594 : i32
      %ne3A_596 = arith.xori %lt3A_593, %lt3A_595 : i1
      %and3A_597 = arith.andi %ne3A_596, %ne3A_591 : i1
      %add3A_598 = arith.addi %rem3A_589, %select_n3A_588 : i32
      %select_n3A_599 = arith.select %and3A_597, %add3A_598, %rem3A_589 : i32
      %mul3A_600 = arith.constant 1024 : i32
      %mul3A_601 = arith.muli %select_n3A_599, %mul3A_600 : i32
      %multiple_of3A_602 = tpu.assume_multiple %mul3A_601, 1024 : i32
      %sub3A_603 = arith.constant 128 : i32
      %sub3A_604 = arith.subi %multiple_of3A_602, %sub3A_603 : i32
      %jit3A_605 = arith.constant 0 : i32
      %jit3A_606 = arith.constant 6912 : i32
      %max3A_607 = arith.maxsi %jit3A_605, %sub3A_604 : i32
      %min3A_608 = arith.minsi %jit3A_606, %max3A_607 : i32
      %multiple_of3A_609 = tpu.assume_multiple %min3A_608, 128 : i32
      %sub3A_610 = arith.subi %multiple_of3A_602, %multiple_of3A_609 : i32
      %scan3A_611 = arith.constant 0 : i32
      %scan3A_612 = arith.constant 0 : i32
      %scan3A_613 = arith.constant 64 : i32
      %scan3A_614 = arith.addi %scan3A_612, %scan3A_613 : i32
      %scan3A_615 = arith.constant 1 : i32
      scf.for %scan3A_676 = %scan3A_612 to %scan3A_614 step %scan3A_615  : i32 {
        %mul3A_677 = arith.constant 16 : i32
        %mul3A_678 = arith.muli %scan3A_676, %mul3A_677 : i32
        %add3A_679 = arith.addi %sub3A_610, %mul3A_678 : i32
        %get3A_680 = arith.constant 0 : i32
        %get3A_681 = arith.index_cast %get3A_680 : i32 to index
        %get3A_682 = arith.index_cast %add3A_679 : i32 to index
        %get3A_683 = tpu.vector_load %arg6[%get3A_681, %get3A_682] {strides = array<i32>} : memref<16x1280xf32, #tpu.memory_space<vmem>>, vector<16xf32>,
        %mul3A_684 = arith.mulf %get3A_683, %get3A_3 : vector<16xf32>
        %get3A_685 = arith.constant 1 : i32
        %get3A_686 = arith.index_cast %get3A_685 : i32 to index
        %get3A_687 = arith.index_cast %add3A_679 : i32 to index
        %get3A_688 = tpu.vector_load %arg6[%get3A_686, %get3A_687] {strides = array<i32>} : memref<16x1280xf32, #tpu.memory_space<vmem>>, vector<16xf32>,
        %mul3A_689 = arith.mulf %get3A_688, %get3A_7 : vector<16xf32>
        %add3A_690 = arith.addf %mul3A_684, %mul3A_689 : vector<16xf32>
        %get3A_691 = arith.constant 2 : i32
        %get3A_692 = arith.index_cast %get3A_691 : i32 to index
        %get3A_693 = arith.index_cast %add3A_679 : i32 to index
        %get3A_694 = tpu.vector_load %arg6[%get3A_692, %get3A_693] {strides = array<i32>} : memref<16x1280xf32, #tpu.memory_space<vmem>>, vector<16xf32>,
        %mul3A_695 = arith.mulf %get3A_694, %get3A_11 : vector<16xf32>
        %add3A_696 = arith.addf %add3A_690, %mul3A_695 : vector<16xf32>
        %get3A_697 = arith.constant 3 : i32
        %get3A_698 = arith.index_cast %get3A_697 : i32 to index
        %get3A_699 = arith.index_cast %add3A_679 : i32 to index
        %get3A_700 = tpu.vector_load %arg6[%get3A_698, %get3A_699] {strides = array<i32>} : memref<16x1280xf32, #tpu.memory_space<vmem>>, vector<16xf32>,
        %mul3A_701 = arith.mulf %get3A_700, %get3A_15 : vector<16xf32>
        %add3A_702 = arith.addf %add3A_696, %mul3A_701 : vector<16xf32>
        %get3A_703 = arith.constant 4 : i32
        %get3A_704 = arith.index_cast %get3A_703 : i32 to index
        %get3A_705 = arith.index_cast %add3A_679 : i32 to index
        %get3A_706 = tpu.vector_load %arg6[%get3A_704, %get3A_705] {strides = array<i32>} : memref<16x1280xf32, #tpu.memory_space<vmem>>, vector<16xf32>,
        %mul3A_707 = arith.mulf %get3A_706, %get3A_19 : vector<16xf32>
        %add3A_708 = arith.addf %add3A_702, %mul3A_707 : vector<16xf32>
        %get3A_709 = arith.constant 5 : i32
        %get3A_710 = arith.index_cast %get3A_709 : i32 to index
        %get3A_711 = arith.index_cast %add3A_679 : i32 to index
        %get3A_712 = tpu.vector_load %arg6[%get3A_710, %get3A_711] {strides = array<i32>} : memref<16x1280xf32, #tpu.memory_space<vmem>>, vector<16xf32>,
        %mul3A_713 = arith.mulf %get3A_712, %get3A_23 : vector<16xf32>
        %add3A_714 = arith.addf %add3A_708, %mul3A_713 : vector<16xf32>
        %get3A_715 = arith.constant 6 : i32
        %get3A_716 = arith.index_cast %get3A_715 : i32 to index
        %get3A_717 = arith.index_cast %add3A_679 : i32 to index
        %get3A_718 = tpu.vector_load %arg6[%get3A_716, %get3A_717] {strides = array<i32>} : memref<16x1280xf32, #tpu.memory_space<vmem>>, vector<16xf32>,
        %mul3A_719 = arith.mulf %get3A_718, %get3A_27 : vector<16xf32>
        %add3A_720 = arith.addf %add3A_714, %mul3A_719 : vector<16xf32>
        %get3A_721 = arith.constant 7 : i32
        %get3A_722 = arith.index_cast %get3A_721 : i32 to index
        %get3A_723 = arith.index_cast %add3A_679 : i32 to index
        %get3A_724 = tpu.vector_load %arg6[%get3A_722, %get3A_723] {strides = array<i32>} : memref<16x1280xf32, #tpu.memory_space<vmem>>, vector<16xf32>,
        %mul3A_725 = arith.mulf %get3A_724, %get3A_31 : vector<16xf32>
        %add3A_726 = arith.addf %add3A_720, %mul3A_725 : vector<16xf32>
        %get3A_727 = arith.constant 8 : i32
        %get3A_728 = arith.index_cast %get3A_727 : i32 to index
        %get3A_729 = arith.index_cast %add3A_679 : i32 to index
        %get3A_730 = tpu.vector_load %arg6[%get3A_728, %get3A_729] {strides = array<i32>} : memref<16x1280xf32, #tpu.memory_space<vmem>>, vector<16xf32>,
        %mul3A_731 = arith.mulf %get3A_730, %get3A_35 : vector<16xf32>
        %add3A_732 = arith.addf %add3A_726, %mul3A_731 : vector<16xf32>
        %get3A_733 = arith.constant 9 : i32
        %get3A_734 = arith.index_cast %get3A_733 : i32 to index
        %get3A_735 = arith.index_cast %add3A_679 : i32 to index
        %get3A_736 = tpu.vector_load %arg6[%get3A_734, %get3A_735] {strides = array<i32>} : memref<16x1280xf32, #tpu.memory_space<vmem>>, vector<16xf32>,
        %mul3A_737 = arith.mulf %get3A_736, %get3A_39 : vector<16xf32>
        %add3A_738 = arith.addf %add3A_732, %mul3A_737 : vector<16xf32>
        %get3A_739 = arith.constant 10 : i32
        %get3A_740 = arith.index_cast %get3A_739 : i32 to index
        %get3A_741 = arith.index_cast %add3A_679 : i32 to index
        %get3A_742 = tpu.vector_load %arg6[%get3A_740, %get3A_741] {strides = array<i32>} : memref<16x1280xf32, #tpu.memory_space<vmem>>, vector<16xf32>,
        %mul3A_743 = arith.mulf %get3A_742, %get3A_43 : vector<16xf32>
        %add3A_744 = arith.addf %add3A_738, %mul3A_743 : vector<16xf32>
        %get3A_745 = arith.constant 11 : i32
        %get3A_746 = arith.index_cast %get3A_745 : i32 to index
        %get3A_747 = arith.index_cast %add3A_679 : i32 to index
        %get3A_748 = tpu.vector_load %arg6[%get3A_746, %get3A_747] {strides = array<i32>} : memref<16x1280xf32, #tpu.memory_space<vmem>>, vector<16xf32>,
        %mul3A_749 = arith.mulf %get3A_748, %get3A_47 : vector<16xf32>
        %add3A_750 = arith.addf %add3A_744, %mul3A_749 : vector<16xf32>
        %get3A_751 = arith.constant 12 : i32
        %get3A_752 = arith.index_cast %get3A_751 : i32 to index
        %get3A_753 = arith.index_cast %add3A_679 : i32 to index
        %get3A_754 = tpu.vector_load %arg6[%get3A_752, %get3A_753] {strides = array<i32>} : memref<16x1280xf32, #tpu.memory_space<vmem>>, vector<16xf32>,
        %mul3A_755 = arith.mulf %get3A_754, %get3A_51 : vector<16xf32>
        %add3A_756 = arith.addf %add3A_750, %mul3A_755 : vector<16xf32>
        %get3A_757 = arith.constant 13 : i32
        %get3A_758 = arith.index_cast %get3A_757 : i32 to index
        %get3A_759 = arith.index_cast %add3A_679 : i32 to index
        %get3A_760 = tpu.vector_load %arg6[%get3A_758, %get3A_759] {strides = array<i32>} : memref<16x1280xf32, #tpu.memory_space<vmem>>, vector<16xf32>,
        %mul3A_761 = arith.mulf %get3A_760, %get3A_55 : vector<16xf32>
        %add3A_762 = arith.addf %add3A_756, %mul3A_761 : vector<16xf32>
        %get3A_763 = arith.constant 14 : i32
        %get3A_764 = arith.index_cast %get3A_763 : i32 to index
        %get3A_765 = arith.index_cast %add3A_679 : i32 to index
        %get3A_766 = tpu.vector_load %arg6[%get3A_764, %get3A_765] {strides = array<i32>} : memref<16x1280xf32, #tpu.memory_space<vmem>>, vector<16xf32>,
        %mul3A_767 = arith.mulf %get3A_766, %get3A_59 : vector<16xf32>
        %add3A_768 = arith.addf %add3A_762, %mul3A_767 : vector<16xf32>
        %get3A_769 = arith.constant 15 : i32
        %get3A_770 = arith.index_cast %get3A_769 : i32 to index
        %get3A_771 = arith.index_cast %add3A_679 : i32 to index
        %get3A_772 = tpu.vector_load %arg6[%get3A_770, %get3A_771] {strides = array<i32>} : memref<16x1280xf32, #tpu.memory_space<vmem>>, vector<16xf32>,
        %mul3A_773 = arith.mulf %get3A_772, %get3A_63 : vector<16xf32>
        %add3A_774 = arith.addf %add3A_768, %mul3A_773 : vector<16xf32>
        %add3A_775 = arith.addf %add3A_774, %get3A_67 : vector<16xf32>
        %mul3A_776 = arith.constant 2.000000e+00 : f32
        %mul3A_777 = vector.broadcast %mul3A_776 : f32 to vector<16xf32>
        %mul3A_778 = arith.mulf %add3A_775, %mul3A_777 : vector<16xf32>
        %exp3A = math.exp %mul3A_778 : vector<16xf32>
        %abs3A = math.absf %add3A_775 : vector<16xf32>
        %lt3A_779 = arith.constant 9.765625E-4 : f32
        %lt3A_780 = vector.broadcast %lt3A_779 : f32 to vector<16xf32>
        %lt3A_781 = arith.cmpf olt, %abs3A, %lt3A_780 : vector<16xf32>
        %mul3A_782 = arith.mulf %add3A_775, %add3A_775 : vector<16xf32>
        %mul3A_783 = arith.constant 0.333333343 : f32
        %mul3A_784 = vector.broadcast %mul3A_783 : f32 to vector<16xf32>
        %mul3A_785 = arith.mulf %mul3A_782, %mul3A_784 : vector<16xf32>
        %sub3A_786 = arith.constant 1.000000e+00 : f32
        %sub3A_787 = vector.broadcast %sub3A_786 : f32 to vector<16xf32>
        %sub3A_788 = arith.subf %sub3A_787, %mul3A_785 : vector<16xf32>
        %mul3A_789 = arith.mulf %add3A_775, %sub3A_788 : vector<16xf32>
        %add3A_790 = arith.constant 1.000000e+00 : f32
        %add3A_791 = vector.broadcast %add3A_790 : f32 to vector<16xf32>
        %add3A_792 = arith.addf %exp3A, %add3A_791 : vector<16xf32>
        %div3A_793 = arith.constant 2.000000e+00 : f32
        %div3A_794 = vector.broadcast %div3A_793 : f32 to vector<16xf32>
        %div3A_795 = arith.divf %div3A_794, %add3A_792 : vector<16xf32>
        %sub3A_796 = arith.constant 1.000000e+00 : f32
        %sub3A_797 = vector.broadcast %sub3A_796 : f32 to vector<16xf32>
        %sub3A_798 = arith.subf %sub3A_797, %div3A_795 : vector<16xf32>
        %select_n3A_799 = arith.select %lt3A_781, %mul3A_789, %sub3A_798 : vector<16xi1>, vector<16xf32>
        %iota3A = tpu.iota {dimensions = array<i32: 0>} : vector<16xi32>
        %mul3A_800 = arith.constant 16 : i32
        %mul3A_801 = arith.muli %scan3A_676, %mul3A_800 : i32
        %add3A_802 = arith.addi %multiple_of3A_602, %mul3A_801 : i32
        %add3A_803 = vector.broadcast %add3A_802 : i32 to vector<16xi32>
        %add3A_804 = arith.addi %iota3A, %add3A_803 : vector<16xi32>
        %convert_element_type3A_805 = arith.sitofp %add3A_804 : vector<16xi32> to vector<16xf32>
        %add3A_806 = arith.addf %convert_element_type3A_805, %select_n3A_799 : vector<16xf32>
        %convert_element_type3A_807 = arith.fptosi %add3A_806 : vector<16xf32> to vector<16xi32>
        %convert_element_type3A_808 = arith.sitofp %convert_element_type3A_807 : vector<16xi32> to vector<16xf32>
        %gt3A_809 = arith.cmpf ogt, %convert_element_type3A_808, %add3A_806 : vector<16xf32>
        %sub3A_810 = arith.constant 1 : i32
        %sub3A_811 = vector.broadcast %sub3A_810 : i32 to vector<16xi32>
        %sub3A_812 = arith.subi %convert_element_type3A_807, %sub3A_811 : vector<16xi32>
        %select_n3A_813 = arith.select %gt3A_809, %sub3A_812, %convert_element_type3A_807 : vector<16xi1>, vector<16xi32>
        %add3A_814 = arith.constant 1 : i32
        %add3A_815 = vector.broadcast %add3A_814 : i32 to vector<16xi32>
        %add3A_816 = arith.addi %select_n3A_813, %add3A_815 : vector<16xi32>
        %jit3A_817 = arith.constant 0 : i32
        %jit3A_818 = arith.constant 8191 : i32
        %max3A_819 = vector.broadcast %jit3A_817 : i32 to vector<16xi32>
        %max3A_820 = arith.maxsi %max3A_819, %select_n3A_813 : vector<16xi32>
        %min3A_821 = vector.broadcast %jit3A_818 : i32 to vector<16xi32>
        %min3A_822 = arith.minsi %min3A_821, %max3A_820 : vector<16xi32>
        %jit3A_823 = arith.constant 0 : i32
        %jit3A_824 = arith.constant 8191 : i32
        %max3A_825 = vector.broadcast %jit3A_823 : i32 to vector<16xi32>
        %max3A_826 = arith.maxsi %max3A_825, %add3A_816 : vector<16xi32>
        %min3A_827 = vector.broadcast %jit3A_824 : i32 to vector<16xi32>
        %min3A_828 = arith.minsi %min3A_827, %max3A_826 : vector<16xi32>
        %convert_element_type3A_829 = arith.sitofp %min3A_828 : vector<16xi32> to vector<16xf32>
        %sub3A_830 = arith.subf %convert_element_type3A_829, %add3A_806 : vector<16xf32>
        %convert_element_type3A_831 = arith.sitofp %min3A_822 : vector<16xi32> to vector<16xf32>
        %sub3A_832 = arith.subf %add3A_806, %convert_element_type3A_831 : vector<16xf32>
        %sub3A_833 = vector.broadcast %multiple_of3A_609 : i32 to vector<16xi32>
        %sub3A_834 = arith.subi %min3A_822, %sub3A_833 : vector<16xi32>
        %sub3A_835 = vector.broadcast %multiple_of3A_609 : i32 to vector<16xi32>
        %sub3A_836 = arith.subi %min3A_828, %sub3A_835 : vector<16xi32>
        %mul3A_837 = arith.constant 16 : i32
        %mul3A_838 = arith.muli %scan3A_676, %mul3A_837 : i32
        %broadcast_in_dim3A = arith.constant 0 : i32
        %broadcast_in_dim3A_839 = vector.broadcast %broadcast_in_dim3A : i32 to vector<16xi32>
        %gather3A = tpu.vector_load_idx %arg6[%broadcast_in_dim3A_839, %sub3A_834] : memref<16x1280xf32, #tpu.memory_space<vmem>>[vector<16xi32>, vector<16xi32>], vector<16xf32>,
        %gather3A_840 = tpu.vector_load_idx %arg6[%broadcast_in_dim3A_839, %sub3A_836] : memref<16x1280xf32, #tpu.memory_space<vmem>>[vector<16xi32>, vector<16xi32>], vector<16xf32>,
        %mul3A_841 = arith.mulf %sub3A_830, %gather3A : vector<16xf32>
        %mul3A_842 = arith.mulf %sub3A_832, %gather3A_840 : vector<16xf32>
        %add3A_843 = arith.addf %mul3A_841, %mul3A_842 : vector<16xf32>
        %swap3A = arith.constant 0 : i32
        %swap3A_844 = arith.index_cast %swap3A : i32 to index
        %swap3A_845 = arith.index_cast %mul3A_838 : i32 to index
        %swap3A_846 = tpu.vector_load %arg8[%swap3A_844, %swap3A_845] {strides = array<i32>} : memref<16x1024xf32, #tpu.memory_space<vmem>>, vector<16xf32>,
        tpu.vector_store %arg8[%swap3A_844, %swap3A_845], %add3A_843 {strides = array<i32>} : memref<16x1024xf32, #tpu.memory_space<vmem>>, vector<16xf32>,
        %broadcast_in_dim3A_847 = arith.constant 1 : i32
        %broadcast_in_dim3A_848 = vector.broadcast %broadcast_in_dim3A_847 : i32 to vector<16xi32>
        %gather3A_849 = tpu.vector_load_idx %arg6[%broadcast_in_dim3A_848, %sub3A_834] : memref<16x1280xf32, #tpu.memory_space<vmem>>[vector<16xi32>, vector<16xi32>], vector<16xf32>,
        %gather3A_850 = tpu.vector_load_idx %arg6[%broadcast_in_dim3A_848, %sub3A_836] : memref<16x1280xf32, #tpu.memory_space<vmem>>[vector<16xi32>, vector<16xi32>], vector<16xf32>,
        %mul3A_851 = arith.mulf %sub3A_830, %gather3A_849 : vector<16xf32>
        %mul3A_852 = arith.mulf %sub3A_832, %gather3A_850 : vector<16xf32>
        %add3A_853 = arith.addf %mul3A_851, %mul3A_852 : vector<16xf32>
        %swap3A_854 = arith.constant 1 : i32
        %swap3A_855 = arith.index_cast %swap3A_854 : i32 to index
        %swap3A_856 = arith.index_cast %mul3A_838 : i32 to index
        %swap3A_857 = tpu.vector_load %arg8[%swap3A_855, %swap3A_856] {strides = array<i32>} : memref<16x1024xf32, #tpu.memory_space<vmem>>, vector<16xf32>,
        tpu.vector_store %arg8[%swap3A_855, %swap3A_856], %add3A_853 {strides = array<i32>} : memref<16x1024xf32, #tpu.memory_space<vmem>>, vector<16xf32>,
        %broadcast_in_dim3A_858 = arith.constant 2 : i32
        %broadcast_in_dim3A_859 = vector.broadcast %broadcast_in_dim3A_858 : i32 to vector<16xi32>
        %gather3A_860 = tpu.vector_load_idx %arg6[%broadcast_in_dim3A_859, %sub3A_834] : memref<16x1280xf32, #tpu.memory_space<vmem>>[vector<16xi32>, vector<16xi32>], vector<16xf32>,
        %gather3A_861 = tpu.vector_load_idx %arg6[%broadcast_in_dim3A_859, %sub3A_836] : memref<16x1280xf32, #tpu.memory_space<vmem>>[vector<16xi32>, vector<16xi32>], vector<16xf32>,
        %mul3A_862 = arith.mulf %sub3A_830, %gather3A_860 : vector<16xf32>
        %mul3A_863 = arith.mulf %sub3A_832, %gather3A_861 : vector<16xf32>
        %add3A_864 = arith.addf %mul3A_862, %mul3A_863 : vector<16xf32>
        %swap3A_865 = arith.constant 2 : i32
        %swap3A_866 = arith.index_cast %swap3A_865 : i32 to index
        %swap3A_867 = arith.index_cast %mul3A_838 : i32 to index
        %swap3A_868 = tpu.vector_load %arg8[%swap3A_866, %swap3A_867] {strides = array<i32>} : memref<16x1024xf32, #tpu.memory_space<vmem>>, vector<16xf32>,
        tpu.vector_store %arg8[%swap3A_866, %swap3A_867], %add3A_864 {strides = array<i32>} : memref<16x1024xf32, #tpu.memory_space<vmem>>, vector<16xf32>,
        %broadcast_in_dim3A_869 = arith.constant 3 : i32
        %broadcast_in_dim3A_870 = vector.broadcast %broadcast_in_dim3A_869 : i32 to vector<16xi32>
        %gather3A_871 = tpu.vector_load_idx %arg6[%broadcast_in_dim3A_870, %sub3A_834] : memref<16x1280xf32, #tpu.memory_space<vmem>>[vector<16xi32>, vector<16xi32>], vector<16xf32>,
        %gather3A_872 = tpu.vector_load_idx %arg6[%broadcast_in_dim3A_870, %sub3A_836] : memref<16x1280xf32, #tpu.memory_space<vmem>>[vector<16xi32>, vector<16xi32>], vector<16xf32>,
        %mul3A_873 = arith.mulf %sub3A_830, %gather3A_871 : vector<16xf32>
        %mul3A_874 = arith.mulf %sub3A_832, %gather3A_872 : vector<16xf32>
        %add3A_875 = arith.addf %mul3A_873, %mul3A_874 : vector<16xf32>
        %swap3A_876 = arith.constant 3 : i32
        %swap3A_877 = arith.index_cast %swap3A_876 : i32 to index
        %swap3A_878 = arith.index_cast %mul3A_838 : i32 to index
        %swap3A_879 = tpu.vector_load %arg8[%swap3A_877, %swap3A_878] {strides = array<i32>} : memref<16x1024xf32, #tpu.memory_space<vmem>>, vector<16xf32>,
        tpu.vector_store %arg8[%swap3A_877, %swap3A_878], %add3A_875 {strides = array<i32>} : memref<16x1024xf32, #tpu.memory_space<vmem>>, vector<16xf32>,
        %broadcast_in_dim3A_880 = arith.constant 4 : i32
        %broadcast_in_dim3A_881 = vector.broadcast %broadcast_in_dim3A_880 : i32 to vector<16xi32>
        %gather3A_882 = tpu.vector_load_idx %arg6[%broadcast_in_dim3A_881, %sub3A_834] : memref<16x1280xf32, #tpu.memory_space<vmem>>[vector<16xi32>, vector<16xi32>], vector<16xf32>,
        %gather3A_883 = tpu.vector_load_idx %arg6[%broadcast_in_dim3A_881, %sub3A_836] : memref<16x1280xf32, #tpu.memory_space<vmem>>[vector<16xi32>, vector<16xi32>], vector<16xf32>,
        %mul3A_884 = arith.mulf %sub3A_830, %gather3A_882 : vector<16xf32>
        %mul3A_885 = arith.mulf %sub3A_832, %gather3A_883 : vector<16xf32>
        %add3A_886 = arith.addf %mul3A_884, %mul3A_885 : vector<16xf32>
        %swap3A_887 = arith.constant 4 : i32
        %swap3A_888 = arith.index_cast %swap3A_887 : i32 to index
        %swap3A_889 = arith.index_cast %mul3A_838 : i32 to index
        %swap3A_890 = tpu.vector_load %arg8[%swap3A_888, %swap3A_889] {strides = array<i32>} : memref<16x1024xf32, #tpu.memory_space<vmem>>, vector<16xf32>,
        tpu.vector_store %arg8[%swap3A_888, %swap3A_889], %add3A_886 {strides = array<i32>} : memref<16x1024xf32, #tpu.memory_space<vmem>>, vector<16xf32>,
        %broadcast_in_dim3A_891 = arith.constant 5 : i32
        %broadcast_in_dim3A_892 = vector.broadcast %broadcast_in_dim3A_891 : i32 to vector<16xi32>
        %gather3A_893 = tpu.vector_load_idx %arg6[%broadcast_in_dim3A_892, %sub3A_834] : memref<16x1280xf32, #tpu.memory_space<vmem>>[vector<16xi32>, vector<16xi32>], vector<16xf32>,
        %gather3A_894 = tpu.vector_load_idx %arg6[%broadcast_in_dim3A_892, %sub3A_836] : memref<16x1280xf32, #tpu.memory_space<vmem>>[vector<16xi32>, vector<16xi32>], vector<16xf32>,
        %mul3A_895 = arith.mulf %sub3A_830, %gather3A_893 : vector<16xf32>
        %mul3A_896 = arith.mulf %sub3A_832, %gather3A_894 : vector<16xf32>
        %add3A_897 = arith.addf %mul3A_895, %mul3A_896 : vector<16xf32>
        %swap3A_898 = arith.constant 5 : i32
        %swap3A_899 = arith.index_cast %swap3A_898 : i32 to index
        %swap3A_900 = arith.index_cast %mul3A_838 : i32 to index
        %swap3A_901 = tpu.vector_load %arg8[%swap3A_899, %swap3A_900] {strides = array<i32>} : memref<16x1024xf32, #tpu.memory_space<vmem>>, vector<16xf32>,
        tpu.vector_store %arg8[%swap3A_899, %swap3A_900], %add3A_897 {strides = array<i32>} : memref<16x1024xf32, #tpu.memory_space<vmem>>, vector<16xf32>,
        %broadcast_in_dim3A_902 = arith.constant 6 : i32
        %broadcast_in_dim3A_903 = vector.broadcast %broadcast_in_dim3A_902 : i32 to vector<16xi32>
        %gather3A_904 = tpu.vector_load_idx %arg6[%broadcast_in_dim3A_903, %sub3A_834] : memref<16x1280xf32, #tpu.memory_space<vmem>>[vector<16xi32>, vector<16xi32>], vector<16xf32>,
        %gather3A_905 = tpu.vector_load_idx %arg6[%broadcast_in_dim3A_903, %sub3A_836] : memref<16x1280xf32, #tpu.memory_space<vmem>>[vector<16xi32>, vector<16xi32>], vector<16xf32>,
        %mul3A_906 = arith.mulf %sub3A_830, %gather3A_904 : vector<16xf32>
        %mul3A_907 = arith.mulf %sub3A_832, %gather3A_905 : vector<16xf32>
        %add3A_908 = arith.addf %mul3A_906, %mul3A_907 : vector<16xf32>
        %swap3A_909 = arith.constant 6 : i32
        %swap3A_910 = arith.index_cast %swap3A_909 : i32 to index
        %swap3A_911 = arith.index_cast %mul3A_838 : i32 to index
        %swap3A_912 = tpu.vector_load %arg8[%swap3A_910, %swap3A_911] {strides = array<i32>} : memref<16x1024xf32, #tpu.memory_space<vmem>>, vector<16xf32>,
        tpu.vector_store %arg8[%swap3A_910, %swap3A_911], %add3A_908 {strides = array<i32>} : memref<16x1024xf32, #tpu.memory_space<vmem>>, vector<16xf32>,
        %broadcast_in_dim3A_913 = arith.constant 7 : i32
        %broadcast_in_dim3A_914 = vector.broadcast %broadcast_in_dim3A_913 : i32 to vector<16xi32>
        %gather3A_915 = tpu.vector_load_idx %arg6[%broadcast_in_dim3A_914, %sub3A_834] : memref<16x1280xf32, #tpu.memory_space<vmem>>[vector<16xi32>, vector<16xi32>], vector<16xf32>,
        %gather3A_916 = tpu.vector_load_idx %arg6[%broadcast_in_dim3A_914, %sub3A_836] : memref<16x1280xf32, #tpu.memory_space<vmem>>[vector<16xi32>, vector<16xi32>], vector<16xf32>,
        %mul3A_917 = arith.mulf %sub3A_830, %gather3A_915 : vector<16xf32>
        %mul3A_918 = arith.mulf %sub3A_832, %gather3A_916 : vector<16xf32>
        %add3A_919 = arith.addf %mul3A_917, %mul3A_918 : vector<16xf32>
        %swap3A_920 = arith.constant 7 : i32
        %swap3A_921 = arith.index_cast %swap3A_920 : i32 to index
        %swap3A_922 = arith.index_cast %mul3A_838 : i32 to index
        %swap3A_923 = tpu.vector_load %arg8[%swap3A_921, %swap3A_922] {strides = array<i32>} : memref<16x1024xf32, #tpu.memory_space<vmem>>, vector<16xf32>,
        tpu.vector_store %arg8[%swap3A_921, %swap3A_922], %add3A_919 {strides = array<i32>} : memref<16x1024xf32, #tpu.memory_space<vmem>>, vector<16xf32>,
        %broadcast_in_dim3A_924 = arith.constant 8 : i32
        %broadcast_in_dim3A_925 = vector.broadcast %broadcast_in_dim3A_924 : i32 to vector<16xi32>
        %gather3A_926 = tpu.vector_load_idx %arg6[%broadcast_in_dim3A_925, %sub3A_834] : memref<16x1280xf32, #tpu.memory_space<vmem>>[vector<16xi32>, vector<16xi32>], vector<16xf32>,
        %gather3A_927 = tpu.vector_load_idx %arg6[%broadcast_in_dim3A_925, %sub3A_836] : memref<16x1280xf32, #tpu.memory_space<vmem>>[vector<16xi32>, vector<16xi32>], vector<16xf32>,
        %mul3A_928 = arith.mulf %sub3A_830, %gather3A_926 : vector<16xf32>
        %mul3A_929 = arith.mulf %sub3A_832, %gather3A_927 : vector<16xf32>
        %add3A_930 = arith.addf %mul3A_928, %mul3A_929 : vector<16xf32>
        %swap3A_931 = arith.constant 8 : i32
        %swap3A_932 = arith.index_cast %swap3A_931 : i32 to index
        %swap3A_933 = arith.index_cast %mul3A_838 : i32 to index
        %swap3A_934 = tpu.vector_load %arg8[%swap3A_932, %swap3A_933] {strides = array<i32>} : memref<16x1024xf32, #tpu.memory_space<vmem>>, vector<16xf32>,
        tpu.vector_store %arg8[%swap3A_932, %swap3A_933], %add3A_930 {strides = array<i32>} : memref<16x1024xf32, #tpu.memory_space<vmem>>, vector<16xf32>,
        %broadcast_in_dim3A_935 = arith.constant 9 : i32
        %broadcast_in_dim3A_936 = vector.broadcast %broadcast_in_dim3A_935 : i32 to vector<16xi32>
        %gather3A_937 = tpu.vector_load_idx %arg6[%broadcast_in_dim3A_936, %sub3A_834] : memref<16x1280xf32, #tpu.memory_space<vmem>>[vector<16xi32>, vector<16xi32>], vector<16xf32>,
        %gather3A_938 = tpu.vector_load_idx %arg6[%broadcast_in_dim3A_936, %sub3A_836] : memref<16x1280xf32, #tpu.memory_space<vmem>>[vector<16xi32>, vector<16xi32>], vector<16xf32>,
        %mul3A_939 = arith.mulf %sub3A_830, %gather3A_937 : vector<16xf32>
        %mul3A_940 = arith.mulf %sub3A_832, %gather3A_938 : vector<16xf32>
        %add3A_941 = arith.addf %mul3A_939, %mul3A_940 : vector<16xf32>
        %swap3A_942 = arith.constant 9 : i32
        %swap3A_943 = arith.index_cast %swap3A_942 : i32 to index
        %swap3A_944 = arith.index_cast %mul3A_838 : i32 to index
        %swap3A_945 = tpu.vector_load %arg8[%swap3A_943, %swap3A_944] {strides = array<i32>} : memref<16x1024xf32, #tpu.memory_space<vmem>>, vector<16xf32>,
        tpu.vector_store %arg8[%swap3A_943, %swap3A_944], %add3A_941 {strides = array<i32>} : memref<16x1024xf32, #tpu.memory_space<vmem>>, vector<16xf32>,
        %broadcast_in_dim3A_946 = arith.constant 10 : i32
        %broadcast_in_dim3A_947 = vector.broadcast %broadcast_in_dim3A_946 : i32 to vector<16xi32>
        %gather3A_948 = tpu.vector_load_idx %arg6[%broadcast_in_dim3A_947, %sub3A_834] : memref<16x1280xf32, #tpu.memory_space<vmem>>[vector<16xi32>, vector<16xi32>], vector<16xf32>,
        %gather3A_949 = tpu.vector_load_idx %arg6[%broadcast_in_dim3A_947, %sub3A_836] : memref<16x1280xf32, #tpu.memory_space<vmem>>[vector<16xi32>, vector<16xi32>], vector<16xf32>,
        %mul3A_950 = arith.mulf %sub3A_830, %gather3A_948 : vector<16xf32>
        %mul3A_951 = arith.mulf %sub3A_832, %gather3A_949 : vector<16xf32>
        %add3A_952 = arith.addf %mul3A_950, %mul3A_951 : vector<16xf32>
        %swap3A_953 = arith.constant 10 : i32
        %swap3A_954 = arith.index_cast %swap3A_953 : i32 to index
        %swap3A_955 = arith.index_cast %mul3A_838 : i32 to index
        %swap3A_956 = tpu.vector_load %arg8[%swap3A_954, %swap3A_955] {strides = array<i32>} : memref<16x1024xf32, #tpu.memory_space<vmem>>, vector<16xf32>,
        tpu.vector_store %arg8[%swap3A_954, %swap3A_955], %add3A_952 {strides = array<i32>} : memref<16x1024xf32, #tpu.memory_space<vmem>>, vector<16xf32>,
        %broadcast_in_dim3A_957 = arith.constant 11 : i32
        %broadcast_in_dim3A_958 = vector.broadcast %broadcast_in_dim3A_957 : i32 to vector<16xi32>
        %gather3A_959 = tpu.vector_load_idx %arg6[%broadcast_in_dim3A_958, %sub3A_834] : memref<16x1280xf32, #tpu.memory_space<vmem>>[vector<16xi32>, vector<16xi32>], vector<16xf32>,
        %gather3A_960 = tpu.vector_load_idx %arg6[%broadcast_in_dim3A_958, %sub3A_836] : memref<16x1280xf32, #tpu.memory_space<vmem>>[vector<16xi32>, vector<16xi32>], vector<16xf32>,
        %mul3A_961 = arith.mulf %sub3A_830, %gather3A_959 : vector<16xf32>
        %mul3A_962 = arith.mulf %sub3A_832, %gather3A_960 : vector<16xf32>
        %add3A_963 = arith.addf %mul3A_961, %mul3A_962 : vector<16xf32>
        %swap3A_964 = arith.constant 11 : i32
        %swap3A_965 = arith.index_cast %swap3A_964 : i32 to index
        %swap3A_966 = arith.index_cast %mul3A_838 : i32 to index
        %swap3A_967 = tpu.vector_load %arg8[%swap3A_965, %swap3A_966] {strides = array<i32>} : memref<16x1024xf32, #tpu.memory_space<vmem>>, vector<16xf32>,
        tpu.vector_store %arg8[%swap3A_965, %swap3A_966], %add3A_963 {strides = array<i32>} : memref<16x1024xf32, #tpu.memory_space<vmem>>, vector<16xf32>,
        %broadcast_in_dim3A_968 = arith.constant 12 : i32
        %broadcast_in_dim3A_969 = vector.broadcast %broadcast_in_dim3A_968 : i32 to vector<16xi32>
        %gather3A_970 = tpu.vector_load_idx %arg6[%broadcast_in_dim3A_969, %sub3A_834] : memref<16x1280xf32, #tpu.memory_space<vmem>>[vector<16xi32>, vector<16xi32>], vector<16xf32>,
        %gather3A_971 = tpu.vector_load_idx %arg6[%broadcast_in_dim3A_969, %sub3A_836] : memref<16x1280xf32, #tpu.memory_space<vmem>>[vector<16xi32>, vector<16xi32>], vector<16xf32>,
        %mul3A_972 = arith.mulf %sub3A_830, %gather3A_970 : vector<16xf32>
        %mul3A_973 = arith.mulf %sub3A_832, %gather3A_971 : vector<16xf32>
        %add3A_974 = arith.addf %mul3A_972, %mul3A_973 : vector<16xf32>
        %swap3A_975 = arith.constant 12 : i32
        %swap3A_976 = arith.index_cast %swap3A_975 : i32 to index
        %swap3A_977 = arith.index_cast %mul3A_838 : i32 to index
        %swap3A_978 = tpu.vector_load %arg8[%swap3A_976, %swap3A_977] {strides = array<i32>} : memref<16x1024xf32, #tpu.memory_space<vmem>>, vector<16xf32>,
        tpu.vector_store %arg8[%swap3A_976, %swap3A_977], %add3A_974 {strides = array<i32>} : memref<16x1024xf32, #tpu.memory_space<vmem>>, vector<16xf32>,
        %broadcast_in_dim3A_979 = arith.constant 13 : i32
        %broadcast_in_dim3A_980 = vector.broadcast %broadcast_in_dim3A_979 : i32 to vector<16xi32>
        %gather3A_981 = tpu.vector_load_idx %arg6[%broadcast_in_dim3A_980, %sub3A_834] : memref<16x1280xf32, #tpu.memory_space<vmem>>[vector<16xi32>, vector<16xi32>], vector<16xf32>,
        %gather3A_982 = tpu.vector_load_idx %arg6[%broadcast_in_dim3A_980, %sub3A_836] : memref<16x1280xf32, #tpu.memory_space<vmem>>[vector<16xi32>, vector<16xi32>], vector<16xf32>,
        %mul3A_983 = arith.mulf %sub3A_830, %gather3A_981 : vector<16xf32>
        %mul3A_984 = arith.mulf %sub3A_832, %gather3A_982 : vector<16xf32>
        %add3A_985 = arith.addf %mul3A_983, %mul3A_984 : vector<16xf32>
        %swap3A_986 = arith.constant 13 : i32
        %swap3A_987 = arith.index_cast %swap3A_986 : i32 to index
        %swap3A_988 = arith.index_cast %mul3A_838 : i32 to index
        %swap3A_989 = tpu.vector_load %arg8[%swap3A_987, %swap3A_988] {strides = array<i32>} : memref<16x1024xf32, #tpu.memory_space<vmem>>, vector<16xf32>,
        tpu.vector_store %arg8[%swap3A_987, %swap3A_988], %add3A_985 {strides = array<i32>} : memref<16x1024xf32, #tpu.memory_space<vmem>>, vector<16xf32>,
        %broadcast_in_dim3A_990 = arith.constant 14 : i32
        %broadcast_in_dim3A_991 = vector.broadcast %broadcast_in_dim3A_990 : i32 to vector<16xi32>
        %gather3A_992 = tpu.vector_load_idx %arg6[%broadcast_in_dim3A_991, %sub3A_834] : memref<16x1280xf32, #tpu.memory_space<vmem>>[vector<16xi32>, vector<16xi32>], vector<16xf32>,
        %gather3A_993 = tpu.vector_load_idx %arg6[%broadcast_in_dim3A_991, %sub3A_836] : memref<16x1280xf32, #tpu.memory_space<vmem>>[vector<16xi32>, vector<16xi32>], vector<16xf32>,
        %mul3A_994 = arith.mulf %sub3A_830, %gather3A_992 : vector<16xf32>
        %mul3A_995 = arith.mulf %sub3A_832, %gather3A_993 : vector<16xf32>
        %add3A_996 = arith.addf %mul3A_994, %mul3A_995 : vector<16xf32>
        %swap3A_997 = arith.constant 14 : i32
        %swap3A_998 = arith.index_cast %swap3A_997 : i32 to index
        %swap3A_999 = arith.index_cast %mul3A_838 : i32 to index
        %swap3A_1000 = tpu.vector_load %arg8[%swap3A_998, %swap3A_999] {strides = array<i32>} : memref<16x1024xf32, #tpu.memory_space<vmem>>, vector<16xf32>,
        tpu.vector_store %arg8[%swap3A_998, %swap3A_999], %add3A_996 {strides = array<i32>} : memref<16x1024xf32, #tpu.memory_space<vmem>>, vector<16xf32>,
        %broadcast_in_dim3A_1001 = arith.constant 15 : i32
        %broadcast_in_dim3A_1002 = vector.broadcast %broadcast_in_dim3A_1001 : i32 to vector<16xi32>
        %gather3A_1003 = tpu.vector_load_idx %arg6[%broadcast_in_dim3A_1002, %sub3A_834] : memref<16x1280xf32, #tpu.memory_space<vmem>>[vector<16xi32>, vector<16xi32>], vector<16xf32>,
        %gather3A_1004 = tpu.vector_load_idx %arg6[%broadcast_in_dim3A_1002, %sub3A_836] : memref<16x1280xf32, #tpu.memory_space<vmem>>[vector<16xi32>, vector<16xi32>], vector<16xf32>,
        %mul3A_1005 = arith.mulf %sub3A_830, %gather3A_1003 : vector<16xf32>
        %mul3A_1006 = arith.mulf %sub3A_832, %gather3A_1004 : vector<16xf32>
        %add3A_1007 = arith.addf %mul3A_1005, %mul3A_1006 : vector<16xf32>
        %swap3A_1008 = arith.constant 15 : i32
        %swap3A_1009 = arith.index_cast %swap3A_1008 : i32 to index
        %swap3A_1010 = arith.index_cast %mul3A_838 : i32 to index
        %swap3A_1011 = tpu.vector_load %arg8[%swap3A_1009, %swap3A_1010] {strides = array<i32>} : memref<16x1024xf32, #tpu.memory_space<vmem>>, vector<16xf32>,
        tpu.vector_store %arg8[%swap3A_1009, %swap3A_1010], %add3A_1007 {strides = array<i32>} : memref<16x1024xf32, #tpu.memory_space<vmem>>, vector<16xf32>,
      }
      %scan3A_616 = arith.constant 64 : i32
      %mul3A_617 = arith.constant 16 : i32
      %mul3A_618 = arith.muli %add3A, %mul3A_617 : i32
      %add3A_619 = arith.addi %mul3A_618, %add3A_487 : i32
      %jit3A_620 = arith.constant 8 : i32
      %div3A_621 = arith.divsi %add3A_619, %jit3A_620 : i32
      %sign3A_622 = arith.constant 0 : i32
      %sign3A_623 = arith.cmpi sgt, %add3A_619, %sign3A_622 : i32
      %sign3A_624 = arith.extui %sign3A_623 : i1 to i32
      %sign3A_625 = arith.constant 0 : i32
      %sign3A_626 = arith.cmpi slt, %add3A_619, %sign3A_625 : i32
      %sign3A_627 = arith.extui %sign3A_626 : i1 to i32
      %sign3A_628 = arith.subi %sign3A_624, %sign3A_627 : i32
      %sign3A_629 = arith.constant 0 : i32
      %sign3A_630 = arith.cmpi sgt, %jit3A_620, %sign3A_629 : i32
      %sign3A_631 = arith.extui %sign3A_630 : i1 to i32
      %sign3A_632 = arith.constant 0 : i32
      %sign3A_633 = arith.cmpi slt, %jit3A_620, %sign3A_632 : i32
      %sign3A_634 = arith.extui %sign3A_633 : i1 to i32
      %sign3A_635 = arith.subi %sign3A_631, %sign3A_634 : i32
      %ne3A_636 = arith.cmpi ne, %sign3A_628, %sign3A_635 : i32
      %rem3A_637 = arith.remsi %add3A_619, %jit3A_620 : i32
      %ne3A_638 = arith.constant 0 : i32
      %ne3A_639 = arith.cmpi ne, %rem3A_637, %ne3A_638 : i32
      %and3A_640 = arith.andi %ne3A_636, %ne3A_639 : i1
      %sub3A_641 = arith.constant 1 : i32
      %sub3A_642 = arith.subi %div3A_621, %sub3A_641 : i32
      %select_n3A_643 = arith.select %and3A_640, %sub3A_642, %div3A_621 : i32
      %jit3A_644 = arith.constant 8 : i32
      %eq3A_645 = arith.constant 0 : i32
      %eq3A_646 = arith.cmpi eq, %jit3A_644, %eq3A_645 : i32
      %jit3A_647 = arith.constant 1 : i32
      %select_n3A_648 = arith.select %eq3A_646, %jit3A_647, %jit3A_644 : i32
      %rem3A_649 = arith.remsi %add3A_619, %select_n3A_648 : i32
      %ne3A_650 = arith.constant 0 : i32
      %ne3A_651 = arith.cmpi ne, %rem3A_649, %ne3A_650 : i32
      %lt3A_652 = arith.constant 0 : i32
      %lt3A_653 = arith.cmpi slt, %rem3A_649, %lt3A_652 : i32
      %lt3A_654 = arith.constant 0 : i32
      %lt3A_655 = arith.cmpi slt, %select_n3A_648, %lt3A_654 : i32
      %ne3A_656 = arith.xori %lt3A_653, %lt3A_655 : i1
      %and3A_657 = arith.andi %ne3A_656, %ne3A_651 : i1
      %add3A_658 = arith.addi %rem3A_649, %select_n3A_648 : i32
      %select_n3A_659 = arith.select %and3A_657, %add3A_658, %rem3A_649 : i32
      %mul3A_660 = arith.constant 1024 : i32
      %mul3A_661 = arith.muli %select_n3A_659, %mul3A_660 : i32
      %multiple_of3A_662 = tpu.assume_multiple %mul3A_661, 1024 : i32
      %sub3A_663 = arith.constant 128 : i32
      %sub3A_664 = arith.subi %multiple_of3A_662, %sub3A_663 : i32
      %jit3A_665 = arith.constant 0 : i32
      %jit3A_666 = arith.constant 6912 : i32
      %max3A_667 = arith.maxsi %jit3A_665, %sub3A_664 : i32
      %min3A_668 = arith.minsi %jit3A_666, %max3A_667 : i32
      %multiple_of3A_669 = tpu.assume_multiple %min3A_668, 128 : i32
      %dma_start3A_670 = arith.constant 0 : i32
      %dma_start3A_671 = tpu.memref_slice %arg4[%select_n3A_643, %dma_start3A_670, %multiple_of3A_662] : memref<64x16x8192xf32, #tpu.memory_space<hbm>> -> memref<1x16x1024xf32, #tpu.memory_space<hbm>>
      %dma_start3A_672 = tpu.memref_squeeze %dma_start3A_671 : memref<1x16x1024xf32, #tpu.memory_space<hbm>> -> memref<16x1024xf32, #tpu.memory_space<hbm>>
      %dma_start3A_673 = arith.constant 0 : i32
      %dma_start3A_674 = tpu.memref_slice %arg4[%select_n3A_643, %dma_start3A_673, %multiple_of3A_662] : memref<64x16x8192xf32, #tpu.memory_space<hbm>> -> memref<1x16x1024xf32, #tpu.memory_space<hbm>>
      %dma_start3A_675 = tpu.memref_squeeze %dma_start3A_674 : memref<1x16x1024xf32, #tpu.memory_space<hbm>> -> memref<16x1024xf32, #tpu.memory_space<hbm>>
      tpu.enqueue_dma source(%arg8 : memref<16x1024xf32, #tpu.memory_space<vmem>>) target(%dma_start3A_675 : memref<16x1024xf32, #tpu.memory_space<hbm>>) target_semaphore(%arg13 : memref<!tpu.dma_semaphore, #tpu.memory_space<semaphore_mem>>)
    }
    %scan3A_118 = arith.constant 8 : i32
    %mul3A_119 = arith.constant 16 : i32
    %mul3A_120 = arith.muli %add3A, %mul3A_119 : i32
    %add3A_121 = arith.constant 14 : i32
    %add3A_122 = arith.addi %mul3A_120, %add3A_121 : i32
    %jit3A_123 = arith.constant 8 : i32
    %div3A_124 = arith.divsi %add3A_122, %jit3A_123 : i32
    %sign3A_125 = arith.constant 0 : i32
    %sign3A_126 = arith.cmpi sgt, %add3A_122, %sign3A_125 : i32
    %sign3A_127 = arith.extui %sign3A_126 : i1 to i32
    %sign3A_128 = arith.constant 0 : i32
    %sign3A_129 = arith.cmpi slt, %add3A_122, %sign3A_128 : i32
    %sign3A_130 = arith.extui %sign3A_129 : i1 to i32
    %sign3A_131 = arith.subi %sign3A_127, %sign3A_130 : i32
    %sign3A_132 = arith.constant 0 : i32
    %sign3A_133 = arith.cmpi sgt, %jit3A_123, %sign3A_132 : i32
    %sign3A_134 = arith.extui %sign3A_133 : i1 to i32
    %sign3A_135 = arith.constant 0 : i32
    %sign3A_136 = arith.cmpi slt, %jit3A_123, %sign3A_135 : i32
    %sign3A_137 = arith.extui %sign3A_136 : i1 to i32
    %sign3A_138 = arith.subi %sign3A_134, %sign3A_137 : i32
    %ne3A_139 = arith.cmpi ne, %sign3A_131, %sign3A_138 : i32
    %rem3A_140 = arith.remsi %add3A_122, %jit3A_123 : i32
    %ne3A_141 = arith.constant 0 : i32
    %ne3A_142 = arith.cmpi ne, %rem3A_140, %ne3A_141 : i32
    %and3A_143 = arith.andi %ne3A_139, %ne3A_142 : i1
    %sub3A_144 = arith.constant 1 : i32
    %sub3A_145 = arith.subi %div3A_124, %sub3A_144 : i32
    %select_n3A_146 = arith.select %and3A_143, %sub3A_145, %div3A_124 : i32
    %jit3A_147 = arith.constant 8 : i32
    %eq3A_148 = arith.constant 0 : i32
    %eq3A_149 = arith.cmpi eq, %jit3A_147, %eq3A_148 : i32
    %jit3A_150 = arith.constant 1 : i32
    %select_n3A_151 = arith.select %eq3A_149, %jit3A_150, %jit3A_147 : i32
    %rem3A_152 = arith.remsi %add3A_122, %select_n3A_151 : i32
    %ne3A_153 = arith.constant 0 : i32
    %ne3A_154 = arith.cmpi ne, %rem3A_152, %ne3A_153 : i32
    %lt3A_155 = arith.constant 0 : i32
    %lt3A_156 = arith.cmpi slt, %rem3A_152, %lt3A_155 : i32
    %lt3A_157 = arith.constant 0 : i32
    %lt3A_158 = arith.cmpi slt, %select_n3A_151, %lt3A_157 : i32
    %ne3A_159 = arith.xori %lt3A_156, %lt3A_158 : i1
    %and3A_160 = arith.andi %ne3A_159, %ne3A_154 : i1
    %add3A_161 = arith.addi %rem3A_152, %select_n3A_151 : i32
    %select_n3A_162 = arith.select %and3A_160, %add3A_161, %rem3A_152 : i32
    %mul3A_163 = arith.constant 1024 : i32
    %mul3A_164 = arith.muli %select_n3A_162, %mul3A_163 : i32
    %multiple_of3A_165 = tpu.assume_multiple %mul3A_164, 1024 : i32
    %sub3A_166 = arith.constant 128 : i32
    %sub3A_167 = arith.subi %multiple_of3A_165, %sub3A_166 : i32
    %jit3A_168 = arith.constant 0 : i32
    %jit3A_169 = arith.constant 6912 : i32
    %max3A_170 = arith.maxsi %jit3A_168, %sub3A_167 : i32
    %min3A_171 = arith.minsi %jit3A_169, %max3A_170 : i32
    %multiple_of3A_172 = tpu.assume_multiple %min3A_171, 128 : i32
    %dma_wait3A = arith.constant 0 : i32
    %dma_wait3A_173 = tpu.memref_slice %arg4[%select_n3A_146, %dma_wait3A, %multiple_of3A_165] : memref<64x16x8192xf32, #tpu.memory_space<hbm>> -> memref<1x16x1024xf32, #tpu.memory_space<hbm>>
    %dma_wait3A_174 = tpu.memref_squeeze %dma_wait3A_173 : memref<1x16x1024xf32, #tpu.memory_space<hbm>> -> memref<16x1024xf32, #tpu.memory_space<hbm>>
    %dma_wait3A_175 = arith.constant 0 : i32
    %dma_wait3A_176 = tpu.memref_slice %arg4[%select_n3A_146, %dma_wait3A_175, %multiple_of3A_165] : memref<64x16x8192xf32, #tpu.memory_space<hbm>> -> memref<1x16x1024xf32, #tpu.memory_space<hbm>>
    %dma_wait3A_177 = tpu.memref_squeeze %dma_wait3A_176 : memref<1x16x1024xf32, #tpu.memory_space<hbm>> -> memref<16x1024xf32, #tpu.memory_space<hbm>>
    tpu.wait_dma2 semaphore(%arg12 : memref<!tpu.dma_semaphore, #tpu.memory_space<semaphore_mem>>) src(%arg7 : memref<16x1024xf32, #tpu.memory_space<vmem>>) dst(%dma_wait3A_177 : memref<16x1024xf32, #tpu.memory_space<hbm>>)
    %mul3A_178 = arith.constant 16 : i32
    %mul3A_179 = arith.muli %add3A, %mul3A_178 : i32
    %add3A_180 = arith.constant 15 : i32
    %add3A_181 = arith.addi %mul3A_179, %add3A_180 : i32
    %jit3A_182 = arith.constant 8 : i32
    %div3A_183 = arith.divsi %add3A_181, %jit3A_182 : i32
    %sign3A_184 = arith.constant 0 : i32
    %sign3A_185 = arith.cmpi sgt, %add3A_181, %sign3A_184 : i32
    %sign3A_186 = arith.extui %sign3A_185 : i1 to i32
    %sign3A_187 = arith.constant 0 : i32
    %sign3A_188 = arith.cmpi slt, %add3A_181, %sign3A_187 : i32
    %sign3A_189 = arith.extui %sign3A_188 : i1 to i32
    %sign3A_190 = arith.subi %sign3A_186, %sign3A_189 : i32
    %sign3A_191 = arith.constant 0 : i32
    %sign3A_192 = arith.cmpi sgt, %jit3A_182, %sign3A_191 : i32
    %sign3A_193 = arith.extui %sign3A_192 : i1 to i32
    %sign3A_194 = arith.constant 0 : i32
    %sign3A_195 = arith.cmpi slt, %jit3A_182, %sign3A_194 : i32
    %sign3A_196 = arith.extui %sign3A_195 : i1 to i32
    %sign3A_197 = arith.subi %sign3A_193, %sign3A_196 : i32
    %ne3A_198 = arith.cmpi ne, %sign3A_190, %sign3A_197 : i32
    %rem3A_199 = arith.remsi %add3A_181, %jit3A_182 : i32
    %ne3A_200 = arith.constant 0 : i32
    %ne3A_201 = arith.cmpi ne, %rem3A_199, %ne3A_200 : i32
    %and3A_202 = arith.andi %ne3A_198, %ne3A_201 : i1
    %sub3A_203 = arith.constant 1 : i32
    %sub3A_204 = arith.subi %div3A_183, %sub3A_203 : i32
    %select_n3A_205 = arith.select %and3A_202, %sub3A_204, %div3A_183 : i32
    %jit3A_206 = arith.constant 8 : i32
    %eq3A_207 = arith.constant 0 : i32
    %eq3A_208 = arith.cmpi eq, %jit3A_206, %eq3A_207 : i32
    %jit3A_209 = arith.constant 1 : i32
    %select_n3A_210 = arith.select %eq3A_208, %jit3A_209, %jit3A_206 : i32
    %rem3A_211 = arith.remsi %add3A_181, %select_n3A_210 : i32
    %ne3A_212 = arith.constant 0 : i32
    %ne3A_213 = arith.cmpi ne, %rem3A_211, %ne3A_212 : i32
    %lt3A_214 = arith.constant 0 : i32
    %lt3A_215 = arith.cmpi slt, %rem3A_211, %lt3A_214 : i32
    %lt3A_216 = arith.constant 0 : i32
    %lt3A_217 = arith.cmpi slt, %select_n3A_210, %lt3A_216 : i32
    %ne3A_218 = arith.xori %lt3A_215, %lt3A_217 : i1
    %and3A_219 = arith.andi %ne3A_218, %ne3A_213 : i1
    %add3A_220 = arith.addi %rem3A_211, %select_n3A_210 : i32
    %select_n3A_221 = arith.select %and3A_219, %add3A_220, %rem3A_211 : i32
    %mul3A_222 = arith.constant 1024 : i32
    %mul3A_223 = arith.muli %select_n3A_221, %mul3A_222 : i32
    %multiple_of3A_224 = tpu.assume_multiple %mul3A_223, 1024 : i32
    %sub3A_225 = arith.constant 128 : i32
    %sub3A_226 = arith.subi %multiple_of3A_224, %sub3A_225 : i32
    %jit3A_227 = arith.constant 0 : i32
    %jit3A_228 = arith.constant 6912 : i32
    %max3A_229 = arith.maxsi %jit3A_227, %sub3A_226 : i32
    %min3A_230 = arith.minsi %jit3A_228, %max3A_229 : i32
    %multiple_of3A_231 = tpu.assume_multiple %min3A_230, 128 : i32
    %dma_wait3A_232 = arith.constant 0 : i32
    %dma_wait3A_233 = tpu.memref_slice %arg4[%select_n3A_205, %dma_wait3A_232, %multiple_of3A_224] : memref<64x16x8192xf32, #tpu.memory_space<hbm>> -> memref<1x16x1024xf32, #tpu.memory_space<hbm>>
    %dma_wait3A_234 = tpu.memref_squeeze %dma_wait3A_233 : memref<1x16x1024xf32, #tpu.memory_space<hbm>> -> memref<16x1024xf32, #tpu.memory_space<hbm>>
    %dma_wait3A_235 = arith.constant 0 : i32
    %dma_wait3A_236 = tpu.memref_slice %arg4[%select_n3A_205, %dma_wait3A_235, %multiple_of3A_224] : memref<64x16x8192xf32, #tpu.memory_space<hbm>> -> memref<1x16x1024xf32, #tpu.memory_space<hbm>>
    %dma_wait3A_237 = tpu.memref_squeeze %dma_wait3A_236 : memref<1x16x1024xf32, #tpu.memory_space<hbm>> -> memref<16x1024xf32, #tpu.memory_space<hbm>>
    tpu.wait_dma2 semaphore(%arg13 : memref<!tpu.dma_semaphore, #tpu.memory_space<semaphore_mem>>) src(%arg8 : memref<16x1024xf32, #tpu.memory_space<vmem>>) dst(%dma_wait3A_237 : memref<16x1024xf32, #tpu.memory_space<hbm>>)
    return
  }
}

</mosaic_0001>

<sc_bundles>
// kernel: kernel.3.cloned.1.call-start
scs
__scs_entry_jumppad:
0x0: {  	(pc) =	sbr.rel $0x88, $3  }
0x1: {  	(tag) =	ssettag $0x0;
	lr =	simm.s32 $0x1  }
0x2: {  	[smem:$0x3F9E] =	sst lr;
	_ =	strace $0xD0000000  }
0x3: {  	_ = 	snop  }
0x4: {  	_ = 	snop  }
0x5: {  	_ = 	snop  }
0x6: {  	_ = 	snop  }
0x7: {  	_ = 	snop  }
__scs_overlays_trampoline_lowered:
0x8: {  	[smem:$0x3FAD] =	sst s0  }
0x9: {  	[smem:$0x3FAE] =	sst s1  }
0xa: {  	[smem:$0x3FAF] =	sst s2  }
0xb: {  	[smem:$0x3FB0] =	sst s3  }
0xc: {  	[smem:$0x3FB1] =	sst s4  }
0xd: {  	[smem:$0x3FB2] =	sst s5  }
0xe: {  	[smem:$0x3FB3] =	sst s6  }
0xf: {  	[smem:$0x3FB4] =	sst s7  }
0x10: {  	[smem:$0x3FB5] =	sst s8  }
0x11: {  	[smem:$0x3FB6] =	sst s9;
	s0 =	simm.s32 @!p0 $0x0  }
0x12: {  	s1 =	sld [smem:$0x3F9C];
	s0 =	simm.s32 @p0 $0x1  }
0x13: {  	[smem:$0x3FB7] =	sst s0;
	s0 =	simm.s32 @!p1 $0x0  }
0x14: {  	s2 =	sld [smem:$0x3F9B];
	s0 =	simm.s32 @p1 $0x1  }
0x15: {  	[smem:$0x3FB8] =	sst s0;
	s0 =	simm.s32 @!p2 $0x0  }
0x16: {  	s3 =	sld [smem:$0x3FDB];
	s0 =	simm.s32 @p2 $0x1  }
0x17: {  	s4 =	simm.s32 $0x1BF5;
	[smem:$0x3FBA] =	sst s0  }
0x18: {  	s0 =	sld [smem:$0x3F9D];
	_ =	swait.ge [sflag:s4], $0x0  }
0x19: {  	s7 =	sld [smem:$0x3F9E]  }
0x1a: {  	s8 =	sadd.s32 $0xFFFFE003, lr  }
0x1b: {  	s9 =	sadd.s32 $0xFFFFFEF7, lr;
	s5 =	simm.s32 $0xFFFFFFFF;
	p2 =	slt.u32 s8, $0xFFFFF086  }
0x1c: {  	p1 =	slt.u32 s9, $0xF7A;
	s5 =	simm.s32 @!p2 $0x0  }
0x1d: {  	s5 =	simm.s32 @p1 $0x1;
	p0 =	seq.s32 s7, s2  }
0x1e: {  	s7 =	smul.u32 @!p0 $0xF7A, s2;
	p2 =	seq.s32 @!p0 s5, $0x0  }
0x1f: {  	s9 =	smul.u32 $0xF7A, s1;
	s8 =	simm.s32 @!p0 $0x1BF5;
	p2 =	por !p2, p0  }
0x20: {  	[sflag:s8] =	ssyncset.s32 @!p0 $0xFFFFF086;
	s6 =	sadd.s32 @!p0 s3, s7;
	s7 =	simm.s32 @!p0 $0x108  }
0x21: {  	s3 =	sadd.s32 s3, s9;
	s6 =	sadd.s32 @!p0 $0x88, s6;
	s7 =	simm.s32 @p2 $0x1082  }
0x22: {  	[simem:s7], [sflag:s8] =	dma.local @!p0 [hbm:s6], $0xF7A  }
0x23: {  	s9 =	sor.u32 $0xD0000000, s2;
	s6 =	simm.s32 $0x108;
	_ =	swait.ge @!p0 [sflag:s8], $0x0  }
0x24: {  	s3 =	sadd.s32 $0x88, s3;
	s6 =	simm.s32 @!p1 $0x1082;
	[sflag:s4] =	ssyncset.s32 $0xFFFFF086  }
0x25: {  	[simem:s6], [sflag:s4] =	dma.local [hbm:s3], $0xF7A  }
0x26: {  	[smem:$0x3F9E] =	sst s1;
	(tag) =	ssettag s2;
	_ =	strace s9  }
0x27: {  	s1 =	sld [smem:$0x3FAE]  }
0x28: {  	s2 =	sld [smem:$0x3FAF]  }
0x29: {  	s4 =	sld [smem:$0x3FB1]  }
0x2a: {  	p0 =	seq.s32 s5, $0x0;
	s5 =	sld [smem:$0x3FB2]  }
0x2b: {  	s6 =	sld [smem:$0x3FB3]  }
0x2c: {  	s7 =	sld [smem:$0x3FB4]  }
0x2d: {  	s3 =	simm.s32 $0x108;
	s8 =	sld [smem:$0x3FB5]  }
0x2e: {  	s3 =	simm.s32 @!p0 $0x1082;
	s9 =	sld [smem:$0x3FB6]  }
0x2f: {  	lr =	sadd.s32 s0, s3;
	s0 =	sld [smem:$0x3FAD]  }
0x30: {  	s3 =	sld [smem:$0x3FB0]  }
0x31: {  	[smem:$0x3FB9] =	sst s10  }
0x32: {  	s10 =	sld [smem:$0x3FB7];
	_ =	sdelay $0x3  }
0x33: {  	p0 =	seq.s32 s10, $0x1;
	s10 =	sld [smem:$0x3FB9];
	_ =	sdelay $0x3  }
0x34: {  	[smem:$0x3FB9] =	sst s10  }
0x35: {  	s10 =	sld [smem:$0x3FB8];
	_ =	sdelay $0x3  }
0x36: {  	p1 =	seq.s32 s10, $0x1;
	s10 =	sld [smem:$0x3FB9];
	_ =	sdelay $0x3  }
0x37: {  	[smem:$0x3FB9] =	sst s10  }
0x38: {  	s10 =	sld [smem:$0x3FBA]  }
0x39: {  	_ = 	snop;
	(pc) =	sbr.ind lr, $3  }
0x3a: {  	_ = 	snop  }
0x3b: {  	_ = 	snop  }
0x3c: {  	p2 =	seq.s32 s10, $0x1;
	s10 =	sld [smem:$0x3FB9]  }
0x3d: {  	_ =	shalt  }
0x3e: {  	_ =	shalt  }
0x3f: {  	_ =	shalt  }
0x40: {  	_ =	shalt  }
0x41: {  	_ =	shalt  }
0x42: {  	_ =	shalt  }
0x43: {  	_ =	shalt  }
0x44: {  	_ =	shalt  }
0x45: {  	_ =	shalt  }
0x46: {  	_ =	shalt  }
0x47: {  	_ =	shalt  }
0x48: {  	_ =	shalt  }
0x49: {  	_ =	shalt  }
0x4a: {  	_ =	shalt  }
0x4b: {  	_ =	shalt  }
0x4c: {  	_ =	shalt  }
0x4d: {  	_ =	shalt  }
0x4e: {  	_ =	shalt  }
0x4f: {  	_ =	shalt  }
0x50: {  	_ =	shalt  }
0x51: {  	_ =	shalt  }
0x52: {  	_ =	shalt  }
0x53: {  	_ =	shalt  }
0x54: {  	_ =	shalt  }
0x55: {  	_ =	shalt  }
0x56: {  	_ =	shalt  }
0x57: {  	_ =	shalt  }
0x58: {  	_ =	shalt  }
0x59: {  	_ =	shalt  }
0x5a: {  	_ =	shalt  }
0x5b: {  	_ =	shalt  }
0x5c: {  	_ =	shalt  }
0x5d: {  	_ =	shalt  }
0x5e: {  	_ =	shalt  }
0x5f: {  	_ =	shalt  }
0x60: {  	_ =	shalt  }
0x61: {  	_ =	shalt  }
0x62: {  	_ =	shalt  }
0x63: {  	_ =	shalt  }
0x64: {  	_ =	shalt  }
0x65: {  	_ =	shalt  }
0x66: {  	_ =	shalt  }
0x67: {  	_ =	shalt  }
0x68: {  	_ =	shalt  }
0x69: {  	_ =	shalt  }
0x6a: {  	_ =	shalt  }
0x6b: {  	_ =	shalt  }
0x6c: {  	_ =	shalt  }
0x6d: {  	_ =	shalt  }
0x6e: {  	_ =	shalt  }
0x6f: {  	_ =	shalt  }
0x70: {  	_ =	shalt  }
0x71: {  	_ =	shalt  }
0x72: {  	_ =	shalt  }
0x73: {  	_ =	shalt  }
0x74: {  	_ =	shalt  }
0x75: {  	_ =	shalt  }
0x76: {  	_ =	shalt  }
0x77: {  	_ =	shalt  }
0x78: {  	_ =	shalt  }
0x79: {  	_ =	shalt  }
0x7a: {  	_ =	shalt  }
0x7b: {  	_ =	shalt  }
0x7c: {  	_ =	shalt  }
0x7d: {  	_ =	shalt  }
0x7e: {  	_ =	shalt  }
0x7f: {  	_ =	shalt  }
0x80: {  	_ =	shalt  }
0x81: {  	_ =	shalt  }
0x82: {  	_ =	shalt  }
0x83: {  	_ =	shalt  }
0x84: {  	_ =	shalt  }
0x85: {  	_ =	shalt  }
0x86: {  	_ =	shalt  }
0x87: {  	_ =	shalt  }
.Lfunc_end0:
.L_simem_size_0:
called_computation_lowered:
.L_overlay_start_0:
0x88: {  	s2 =	sld [smem:$0x3FD9]  }
0x89: {  	s3 =	sld [smem:$0x3FFE];
	_ =	sdelay $0x1  }
0x8a: {  	s1 =	srdreg.scid  }
0x8b: {  	s0 =	sand.u32 $0x1, s1  }
0x8c: {  	s17 =	sshll.u32 s0, $0xA;
	s2 =	sadd.s32 s3, s2  }
0x8d: {  	s2 =	sadd.s32 s2, s17  }
0x8e: {  	[smem:$0x3FC5] =	sst s2  }
0x8f: {  	_ = 	snop  }
0x90: {  	s2 =	sld [smem:$0x3FC9]  }
0x91: {  	s18 =	sld [smem:$0x3FD0];
	(tm) =	ssettm $0x1  }
0x92: {  	s4 =	sld [smem:$0x3FFB];
	_ =	sdelay $0x3  }
0x93: {  	_ =	strace s4  }
0x94: {  	s4 =	sld [smem:$0x3FFC];
	_ =	sdelay $0x3  }
0x95: {  	_ =	strace s4  }
0x96: {  	s4 =	sld [smem:$0x3FFD];
	_ =	sdelay $0x3  }
0x97: {  	_ =	strace s4  }
0x98: {  	_ =	strace $0x8FFFFFFF  }
0x99: {  	s19 =	sld [smem:$0x3FDB];
	_ =	sdelay $0x1  }
0x9a: {  	s5 =	simm.s32 $_scs_section_size  }
0x9b: {  	s6 =	simm.s32 $_size__tile_overlayer_lowered;
	s7 =	simm.s32 $_tile_overlayer_lowered  }
0x9c: {  	s22 =	simm.s32 $0x1BFF;
	s21 =	sshll.u32 s7, $0x1;
	s4 =	sadd.s32 s5, s19  }
0x9d: {  	s8 =	simm.s32 $0x0;
	s20 =	sshll.u32 s6, $0x1;
	s6 =	sadd.s32 s21, s4  }
0x9e: {  	[timem:s8], [sflag:s22] =	dma.local [hbm:s6], s20  }
0x9f: {  	_ =	swait.ge [sflag:s22], s20  }
0xa0: {  	s5 =	ssub.s32 $0x0, s20;
	[sflag:s22] =	ssyncset.done $0x0  }
0xa1: {  	[sflag:s22] =	ssyncadd.s32 s5;
	_ =	sdelay $0x1  }
0xa2: {  	s23 =	simm.s32 $0x1B8B  }
0xa3: {  	_ =	swait.ge [sflag:s23], $0x1  }
0xa4: {  	[sflag:s23] =	ssyncset.done $0x0  }
0xa5: {  	s25 =	simm.s32 $0x1B8E;
	s24 =	sld [smem:$0x3FFE];
	[sflag:s23] =	ssyncadd.s32 $0xFFFFFFFF  }
0xa6: {  	s26 =	simm.s32 $execute0_lowered;
	[smem:$0x3FD2] =	sst s25  }
0xa7: {  	s6 =	sshll.u32 s26, $0x1;
	_ =	strace $0x80000046;
	[dreg:$0x1] =	wrdreg $0xFFFFFFFF  }
0xa8: {  	s28 =	simm.s32 $_size_execute0_lowered;
	s4 =	sadd.s32 s4, s6;
	[dreg:$0x0] =	wrdreg $0x0  }
0xa9: {  	s6 =	sshll.u32 s28, $0x1;
	[dreg:$0x2] =	wrdreg s4  }
0xaa: {  	[dreg:$0x3] =	wrdreg s6  }
0xab: {  	[dreg:$0x4] =	wrdreg $0xC0  }
0xac: {  	_ =	task [dreg:s8], $0x5FFFF  }
0xad: {  	[dreg:$0x1] =	wrdreg $0xFFFFFFFF  }
0xae: {  	[dreg:$0x0] =	wrdreg $0x60  }
0xaf: {  	[dreg:$0x2] =	wrdreg s2  }
0xb0: {  	[dreg:$0x3] =	wrdreg s24  }
0xb1: {  	[dreg:$0x4] =	wrdreg s18  }
0xb2: {  	[dreg:$0x5] =	wrdreg $0x9  }
0xb3: {  	_ =	task.clear_ibuf [dreg:s8], $0x6FFFF;
	_ =	strace $0x90000046  }
0xb4: {  	s29 =	simm.s32 $0x9;
	_ =	strace $0x80000048  }
0xb5: {  	_ =	swait.ge [sflag:s29], $0x1  }
0xb6: {  	[sflag:s29] =	ssyncadd.s32 $0xFFFFFFFF  }
0xb7: {  	_ =	strace $0x90000048  }
0xb8: {  	_ =	sfence  }
0xb9: {  	s30 =	sld [smem:$0x0];
	_ =	sdelay $0x2  }
0xba: {  	s31 =	sshll.u32 s1, $0xD;
	s1 =	sshrl.u32 s1, $0x2  }
0xbb: {  	s3 =	sand.u32 $0x4000, s31;
	s1 =	sadd.s32 s1, s30  }
0xbc: {  	s0 =	sor.u32 s3, s0;
	s1 =	sshll.u32 s1, $0x11  }
0xbd: {  	s0 =	sor.u32 s1, s0  }
0xbe: {  	s0 =	sadd.s32 $0x8F2B, s0  }
0xbf: {  	[sflag:s0] =	ssyncadd.remote.s32 $0x1  }
0xc0: {  	_ =	sfence.sel $0xFFFF  }
0xc1: {  	[dreg:$0x0] =	wrdreg $0xFFFFFFFF;
	(pc) =	sbr.abs _section_cstart, $3  }
0xc2: {  	[dreg:$0x1] =	wrdreg $0xFFFFFFFF  }
0xc3: {  	_ =	task.clear_ibuf [dreg:s8], $0x2FFFF;
	_ =	strace $0x9FFFFFFF  }
0xc4: {  	(tm) =	ssettm $0x7FFFFFFF  }
0xc5: {  	_ =	shalt  }
tec
execute0_lowered:
.L_overlay_start_1:
0x0: {  	(tag) =	ssettag $0x1  }
0x1: {  	s1 =	rddreg [dreg:$0x0]  }
0x2: {  	s0 =	rddreg [dreg:$0x1]  }
0x3: {  	s2 =	rddreg [dreg:$0x2];
	s4 =	simm.s32 $0x0;
	s3 =	srdreg.scid  }
0x4: {  	s5 =	stileid.u32;
	s11 =	simm.s32 $0x2800;
	s12 =	simm.s32 $0x10000  }
0x5: {  	s13 =	simm.s32 $0x1;
	s14 =	simm.s32 $0x5000;
	s15 =	simm.s32 $0x2000  }
0x6: {  	s16 =	simm.s32 $0xA000;
	s17 =	simm.s32 $0x2;
	s3 =	sand.u32 $0x1, s3  }
0x7: {  	s5 =	sshll.u32 s5, $0x5;
	s6 =	ssub.s32 $0x2, s3;
	s3 =	sshll.u32 s3, $0x4  }
0x8: {  	[smem:$0x7FF] =	sst s4;
	s0 =	sadd.s32 $0x600, s0;
	s5 =	sor.u32 s3, s5  }
0x9: {  	_ =	strace $0x80000047;
	s7 =	sshrl.u32 s6, $0x1;
	s3 =	sshll.u32 s5, $0xB  }
0xa: {  	[dreg:$0x4] =	wrdreg s0;
	s31 =	ssub.s32 s6, s7;
	s3 =	sadd.s32 s1, s3  }
0xb: {  	s18 =	simm.s32 $0xE000;
	s0 =	smax.u32 s31, $0x1;
	[dreg:$0x5] =	wrdreg s3  }
0xc: {  	v0 =	vlaneseq.u32;
	v1 =	vimm.s32 $0x0;
	s20 =	simm.s32 $0x4;
	[dreg:$0x6] =	wrdreg s0;
	s3 =	simm.s32 $0x0  }
.LBB2_1:
0xd: {  	[dreg:$0x7] =	wrdreg s3  }
0xe: {  	s0 =	rddreg [dreg:$0x4];
	s29 =	simm.s32 $0x12000;
	s30 =	simm.s32 $0x5  }
0xf: {  	[tilespmem:s29], [sflag:$0x5] =	stream.linear.gather [hbm4b:s0+s4], $0xC00, $0x38;
	[tilespmem:$0x12C00] =	vst v63  }
0x10: {  	_ =	swait.ge [sflag:s30], $0xC00  }
0x11: {  	[sflag:s30] =	ssyncset.done $0x0  }
0x12: {  	[sflag:s30] =	ssyncadd.s32 $0xFFFFF400  }
0x13: {  	v2 =	vld [tilespmem:$0x12000]  }
0x14: {  	v3 =	vld [tilespmem:$0x12080]  }
0x15: {  	v4 =	vld [tilespmem:$0x12100]  }
0x16: {  	v5 =	vld [tilespmem:$0x12180]  }
0x17: {  	v6 =	vld [tilespmem:$0x12200]  }
0x18: {  	v7 =	vld [tilespmem:$0x12280]  }
0x19: {  	v8 =	vld [tilespmem:$0x12300]  }
0x1a: {  	v9 =	vld [tilespmem:$0x12380]  }
0x1b: {  	v10 =	vld [tilespmem:$0x12400]  }
0x1c: {  	v11 =	vld [tilespmem:$0x12480]  }
0x1d: {  	v12 =	vld [tilespmem:$0x12500]  }
0x1e: {  	v13 =	vld [tilespmem:$0x12580]  }
0x1f: {  	v14 =	vld [tilespmem:$0x12600]  }
0x20: {  	v15 =	vld [tilespmem:$0x12680]  }
0x21: {  	v16 =	vld [tilespmem:$0x12700]  }
0x22: {  	s22 =	simm.s32 $0x0;
	s23 =	simm.s32 $0x0;
	s31 =	rddreg [dreg:$0x5];
	v17 =	vld [tilespmem:$0x12780]  }
0x23: {  	v18 =	vld [tilespmem:$0x12800];
	[tilespmem:s4], [sflag:$0x1] =	stream.strided.gather [hbm4b:s31+s11], $0x5000, s12, s11, $0x38  }
.LBB2_2:
0x24: {  	s0 =	sshll.u32 s23, $0xB  }
0x25: {  	s30 =	sshll.u32 s23, $0x1;
	s31 =	sand.u32 $0x1800, s0  }
0x26: {  	s6 =	sor.u32 s5, s30;
	s24 =	sor.u32 $0x400, s31  }
0x27: {  	s3 =	sshll.u32 s6, $0xB;
	s9 =	smin.u32 s24, $0x1B80  }
0x28: {  	_ =	swait.ge [sflag:s13], $0x5000;
	s25 =	sand.u32 $0xFC000, s3;
	s29 =	sadd.s32 $0xFFFFFF80, s9  }
0x29: {  	s7 =	sand.u32 $0x3, s22;
	p0 =	seq.s32 s23, $0x0;
	s0 =	sadd.s32 s25, s29  }
0x2a: {  	[sflag:s13] =	ssyncset.done $0x0;
	s10 =	sand.u32 $0x1FFFFF80, s0;
	s0 =	sshll.u32 s7, $0xB  }
0x2b: {  	[sflag:s13] =	ssyncadd.s32 $0xFFFFB000;
	s3 =	sadd.s32 s1, s10;
	s19 =	smin.u32 s0, $0x80  }
0x2c: {  	[tilespmem:s14], [sflag:$0x2] =	stream.strided.gather [hbm4b:s3+s11], $0x5000, s12, s11, $0x38;
	[tilespmem:$0x12C00] =	vst v63  }
0x2d: {  	s10 =	simm.s32 @!p0 $0x3;
	s3 =	sshll.u32 s19, $0x3  }
0x2e: {  	s9 =	simm.s32 $0x0;
	_ =	swait.ge @!p0 [sflag:s10], $0x4000;
	s19 =	sadd.s32 $0x0, s3  }
0x2f: {  	s8 =	sand.u32 $0x70, s9;
	[sflag:s10] =	ssyncset.done @!p0 $0x0;
	s19 =	sand.u32 $0xFFFFFC00, s19  }
0x30: {  	[sflag:s10] =	ssyncadd.s32 @!p0 $0xFFFFC000;
	s21 =	sor.u32 s8, s19  }
0x31: {  	v19 =	vld [tilespmem:s21+$0x0]  }
0x32: {  	v20 =	vld [tilespmem:s21+$0x80];
	_ =	sdelay $0x1  }
0x33: {  	v21 =	vld [tilespmem:s21+$0x100];
	_ =	sdelay $0x1  }
0x34: {  	v22 =	vld [tilespmem:s21+$0x180]  }
0x35: {  	v19 =	vmul.f32 v19, v2;
	v20 =	vmul.f32 v20, v3  }
0x36: {  	v23 =	vld [tilespmem:s21+$0x200]  }
0x37: {  	v21 =	vmul.f32 v21, v4;
	v19 =	vadd.f32 v20, v19  }
0x38: {  	v20 =	vld [tilespmem:s21+$0x280]  }
0x39: {  	v22 =	vmul.f32 v22, v5;
	v19 =	vadd.f32 v21, v19  }
0x3a: {  	v21 =	vld [tilespmem:s21+$0x300]  }
0x3b: {  	v23 =	vmul.f32 v23, v6;
	v19 =	vadd.f32 v22, v19  }
0x3c: {  	v22 =	vld [tilespmem:s21+$0x380]  }
0x3d: {  	v20 =	vmul.f32 v20, v7;
	v19 =	vadd.f32 v23, v19  }
0x3e: {  	v23 =	vld [tilespmem:s21+$0x2800]  }
0x3f: {  	v21 =	vmul.f32 v21, v8;
	v19 =	vadd.f32 v20, v19  }
0x40: {  	v20 =	vld [tilespmem:s21+$0x2880]  }
0x41: {  	v22 =	vmul.f32 v22, v9;
	v19 =	vadd.f32 v21, v19  }
0x42: {  	v21 =	vld [tilespmem:s21+$0x2900]  }
0x43: {  	v23 =	vmul.f32 v23, v10;
	v19 =	vadd.f32 v22, v19  }
0x44: {  	v22 =	vld [tilespmem:s21+$0x2980]  }
0x45: {  	v20 =	vmul.f32 v20, v11;
	v19 =	vadd.f32 v23, v19  }
0x46: {  	v23 =	vld [tilespmem:s21+$0x2A00]  }
0x47: {  	v21 =	vmul.f32 v21, v12;
	v19 =	vadd.f32 v20, v19  }
0x48: {  	v20 =	vld [tilespmem:s21+$0x2A80]  }
0x49: {  	v22 =	vmul.f32 v22, v13;
	v19 =	vadd.f32 v21, v19  }
0x4a: {  	v21 =	vld [tilespmem:s21+$0x2B00]  }
0x4b: {  	v23 =	vmul.f32 v23, v14;
	v19 =	vadd.f32 v22, v19  }
0x4c: {  	v22 =	vld [tilespmem:s21+$0x2B80]  }
0x4d: {  	v20 =	vmul.f32 v20, v15;
	v19 =	vadd.f32 v23, v19;
	_ =	sdelay $0x1  }
0x4e: {  	v21 =	vmul.f32 v21, v16;
	v19 =	vadd.f32 v20, v19;
	_ =	sdelay $0x1  }
0x4f: {  	v20 =	vmul.f32 v22, v17;
	v19 =	vadd.f32 v21, v19;
	_ =	sdelay $0x1  }
0x50: {  	v19 =	vadd.f32 v20, v19;
	_ =	sdelay $0x1  }
0x51: {  	v19 =	vadd.f32 v19, v18;
	_ =	sdelay $0x1  }
0x52: {  	v20 =	vadd.f32 v19, v19;
	_ =	sdelay $0x1  }
0x53: {  	v20 =	vmul.f32 $1.442695020e+00, v20;
	_ =	sdelay $0x1  }
0x54: {  	(erf) = vpow2.f32 v20;
	_ =	sdelay $0x8  }
0x55: {  	v20 =	vpop (erf)  }
0x56: {  	v20 =	vadd.f32 $1.000000000e+00, v20;
	_ =	sdelay $0x1  }
0x57: {  	(erf) = vrcp.f32 v20;
	_ =	sdelay $0x5  }
0x58: {  	v20 =	vmul.f32 v19, v19;
	_ =	sdelay $0x1  }
0x59: {  	v20 =	vmul.f32 $-3.333333430e-01, v20  }
0x5a: {  	v21 =	vpop (erf)  }
0x5b: {  	v20 =	vadd.f32 $1.000000000e+00, v20;
	v21 =	vadd.f32 v21, v21  }
0x5c: {  	s26 =	sadd.s32 $0x0, s0;
	v22 =	vand.u32 $0x7FFFFFFF, v19  }
0x5d: {  	v19 =	vmul.f32 v20, v19;
	v20 =	vor.u32 s26, v0;
	v21 =	vsub.f32 $1.000000000e+00, v21  }
0x5e: {  	vm0 =	vlt.f32 v22, $9.765625000e-04;
	v20 =	vcvt.s32.f32 v20  }
0x5f: {  	v19 =	vsel vm0, v19, v21  }
0x60: {  	v20 =	vadd.f32 v20, v19;
	_ =	sdelay $0x1  }
0x61: {  	v19 =	vtrunc.f32 v20  }
0x62: {  	v21 =	vcvt.f32.s32 v19;
	vm13 =	vlt.f32 v20, v19  }
0x63: {  	v19 =	vsel vm13, $0xFFFFFFFF, v1  }
0x64: {  	v19 =	vadd.s32 v21, v19  }
0x65: {  	s19 =	smax.u32 s31, $0x80;
	v21 =	vadd.s32 $0x1, v19;
	vm14 =	vgt.s32 v19, $0x0  }
0x66: {  	s10 =	sadd.s32 $0xFFFFFF80, s19;
	v22 =	vnsel vm14, $0x0, v19;
	vm15 =	vgt.s32 v21, $0x0  }
0x67: {  	v19 =	vmov s10;
	v24 =	vmin.u32 v22, $0x1FFF;
	v21 =	vnsel vm15, $0x0, v21  }
0x68: {  	v21 =	vmin.u32 v21, $0x1FFF;
	v22 =	vsub.s32 v24, v19  }
0x69: {  	v23 =	vsub.s32 v21, v19;
	v22 =	vshll.u32 v22, $0x3  }
0x6a: {  	v25 =	vand.u32 $0x7F, v24;
	v22 =	vand.u32 $0xFFFFFC00, v22;
	v23 =	vshll.u32 v23, $0x3  }
0x6b: {  	v26 =	vand.u32 $0x7F, v21;
	v22 =	vor.u32 v25, v22;
	v23 =	vand.u32 $0xFFFFFC00, v23  }
0x6c: {  	v23 =	vor.u32 v26, v23;
	_ =	sdelay $0x3  }
0x6d: {  	v25 =	vld.idx.msk [tilespmem:v22+s4+$0x0], $0xffff  }
0x6e: {  	v26 =	vld.idx.msk [tilespmem:v23+s4+$0x0], $0xffff  }
0x6f: {  	v24 =	vcvt.s32.f32 v24;
	v21 =	vcvt.s32.f32 v21;
	_ =	sdelay $0x1  }
0x70: {  	v21 =	vsub.f32 v21, v20;
	v20 =	vsub.f32 v20, v24;
	_ =	sdelay $0x1  }
0x71: {  	v24 =	vmul.f32 v21, v25;
	v25 =	vmul.f32 v20, v26;
	v26 =	vor.u32 $0x80, v22  }
0x72: {  	v27 =	vor.u32 $0x80, v23  }
0x73: {  	s21 =	sand.u32 $0x1C00, s9;
	v24 =	vadd.f32 v24, v25  }
0x74: {  	s8 =	sor.u32 s8, s21  }
0x75: {  	[tilespmem:s8+$0xA000] =	vst v24  }
0x76: {  	v24 =	vld.idx.msk [tilespmem:v26+s4+$0x0], $0xffff  }
0x77: {  	v25 =	vld.idx.msk [tilespmem:v27+s4+$0x0], $0xffff;
	_ =	sdelay $0x4  }
0x78: {  	v26 =	vor.u32 $0x100, v22;
	v24 =	vmul.f32 v21, v24;
	v25 =	vmul.f32 v20, v25  }
0x79: {  	v27 =	vor.u32 $0x100, v23  }
0x7a: {  	v24 =	vadd.f32 v24, v25;
	_ =	sdelay $0x1  }
0x7b: {  	[tilespmem:s8+$0xA080] =	vst v24  }
0x7c: {  	v24 =	vld.idx.msk [tilespmem:v26+s4+$0x0], $0xffff  }
0x7d: {  	v25 =	vld.idx.msk [tilespmem:v27+s4+$0x0], $0xffff;
	_ =	sdelay $0x4  }
0x7e: {  	v26 =	vor.u32 $0x180, v22;
	v24 =	vmul.f32 v21, v24;
	v25 =	vmul.f32 v20, v25  }
0x7f: {  	v27 =	vor.u32 $0x180, v23  }
0x80: {  	v24 =	vadd.f32 v24, v25;
	_ =	sdelay $0x1  }
0x81: {  	[tilespmem:s8+$0xA100] =	vst v24  }
0x82: {  	v24 =	vld.idx.msk [tilespmem:v26+s4+$0x0], $0xffff  }
0x83: {  	v25 =	vld.idx.msk [tilespmem:v27+s4+$0x0], $0xffff;
	_ =	sdelay $0x4  }
0x84: {  	v26 =	vor.u32 $0x200, v22;
	v24 =	vmul.f32 v21, v24;
	v25 =	vmul.f32 v20, v25  }
0x85: {  	v27 =	vor.u32 $0x200, v23  }
0x86: {  	v24 =	vadd.f32 v24, v25;
	_ =	sdelay $0x1  }
0x87: {  	[tilespmem:s8+$0xA180] =	vst v24  }
0x88: {  	v24 =	vld.idx.msk [tilespmem:v26+s4+$0x0], $0xffff  }
0x89: {  	v25 =	vld.idx.msk [tilespmem:v27+s4+$0x0], $0xffff;
	_ =	sdelay $0x4  }
0x8a: {  	v26 =	vor.u32 $0x280, v22;
	v24 =	vmul.f32 v21, v24;
	v25 =	vmul.f32 v20, v25  }
0x8b: {  	v27 =	vor.u32 $0x280, v23  }
0x8c: {  	v24 =	vadd.f32 v24, v25;
	_ =	sdelay $0x1  }
0x8d: {  	[tilespmem:s8+$0xA200] =	vst v24  }
0x8e: {  	v24 =	vld.idx.msk [tilespmem:v26+s4+$0x0], $0xffff  }
0x8f: {  	v25 =	vld.idx.msk [tilespmem:v27+s4+$0x0], $0xffff;
	_ =	sdelay $0x4  }
0x90: {  	v26 =	vor.u32 $0x300, v22;
	v24 =	vmul.f32 v21, v24;
	v25 =	vmul.f32 v20, v25  }
0x91: {  	v27 =	vor.u32 $0x300, v23  }
0x92: {  	v24 =	vadd.f32 v24, v25;
	_ =	sdelay $0x1  }
0x93: {  	[tilespmem:s8+$0xA280] =	vst v24  }
0x94: {  	v24 =	vld.idx.msk [tilespmem:v26+s4+$0x0], $0xffff  }
0x95: {  	v25 =	vld.idx.msk [tilespmem:v27+s4+$0x0], $0xffff;
	_ =	sdelay $0x4  }
0x96: {  	v26 =	vor.u32 $0x380, v22;
	v24 =	vmul.f32 v21, v24;
	v25 =	vmul.f32 v20, v25  }
0x97: {  	v27 =	vor.u32 $0x380, v23  }
0x98: {  	v24 =	vadd.f32 v24, v25;
	_ =	sdelay $0x1  }
0x99: {  	[tilespmem:s8+$0xA300] =	vst v24  }
0x9a: {  	v24 =	vld.idx.msk [tilespmem:v26+s4+$0x0], $0xffff  }
0x9b: {  	v25 =	vld.idx.msk [tilespmem:v27+s4+$0x0], $0xffff;
	_ =	sdelay $0x4  }
0x9c: {  	v26 =	vadd.s32 $0x2800, v22;
	v24 =	vmul.f32 v24, v21;
	v25 =	vmul.f32 v25, v20  }
0x9d: {  	v27 =	vadd.s32 $0x2800, v23  }
0x9e: {  	s26 =	sor.u32 s9, s9;
	v24 =	vadd.f32 v25, v24  }
0x9f: {  	s10 =	sor.u32 $0x380, s26  }
0xa0: {  	[tilespmem:s10+$0xA000] =	vst v24  }
0xa1: {  	v24 =	vld.idx.msk [tilespmem:v26+s4+$0x0], $0xffff  }
0xa2: {  	v25 =	vld.idx.msk [tilespmem:v27+s4+$0x0], $0xffff;
	_ =	sdelay $0x4  }
0xa3: {  	v26 =	vadd.s32 $0x2880, v22;
	v24 =	vmul.f32 v24, v21;
	v25 =	vmul.f32 v25, v20  }
0xa4: {  	v27 =	vadd.s32 $0x2880, v23  }
0xa5: {  	v24 =	vadd.f32 v25, v24;
	_ =	sdelay $0x1  }
0xa6: {  	[tilespmem:s8+$0xC000] =	vst v24  }
0xa7: {  	v24 =	vld.idx.msk [tilespmem:v26+s4+$0x0], $0xffff  }
0xa8: {  	v25 =	vld.idx.msk [tilespmem:v27+s4+$0x0], $0xffff;
	_ =	sdelay $0x4  }
0xa9: {  	v26 =	vadd.s32 $0x2900, v22;
	v24 =	vmul.f32 v24, v21;
	v25 =	vmul.f32 v25, v20  }
0xaa: {  	v27 =	vadd.s32 $0x2900, v23  }
0xab: {  	v24 =	vadd.f32 v25, v24;
	_ =	sdelay $0x1  }
0xac: {  	[tilespmem:s8+$0xC080] =	vst v24  }
0xad: {  	v24 =	vld.idx.msk [tilespmem:v26+s4+$0x0], $0xffff  }
0xae: {  	v25 =	vld.idx.msk [tilespmem:v27+s4+$0x0], $0xffff;
	_ =	sdelay $0x4  }
0xaf: {  	v26 =	vadd.s32 $0x2980, v22;
	v24 =	vmul.f32 v24, v21;
	v25 =	vmul.f32 v25, v20  }
0xb0: {  	v27 =	vadd.s32 $0x2980, v23  }
0xb1: {  	v24 =	vadd.f32 v25, v24;
	_ =	sdelay $0x1  }
0xb2: {  	[tilespmem:s8+$0xC100] =	vst v24  }
0xb3: {  	v24 =	vld.idx.msk [tilespmem:v26+s4+$0x0], $0xffff  }
0xb4: {  	v25 =	vld.idx.msk [tilespmem:v27+s4+$0x0], $0xffff;
	_ =	sdelay $0x4  }
0xb5: {  	v26 =	vadd.s32 $0x2A00, v22;
	v24 =	vmul.f32 v24, v21;
	v25 =	vmul.f32 v25, v20  }
0xb6: {  	v27 =	vadd.s32 $0x2A00, v23  }
0xb7: {  	v24 =	vadd.f32 v25, v24;
	_ =	sdelay $0x1  }
0xb8: {  	[tilespmem:s8+$0xC180] =	vst v24  }
0xb9: {  	v24 =	vld.idx.msk [tilespmem:v26+s4+$0x0], $0xffff  }
0xba: {  	v25 =	vld.idx.msk [tilespmem:v27+s4+$0x0], $0xffff;
	_ =	sdelay $0x4  }
0xbb: {  	v26 =	vadd.s32 $0x2A80, v22;
	v24 =	vmul.f32 v24, v21;
	v25 =	vmul.f32 v25, v20  }
0xbc: {  	v27 =	vadd.s32 $0x2A80, v23  }
0xbd: {  	v24 =	vadd.f32 v25, v24;
	_ =	sdelay $0x1  }
0xbe: {  	[tilespmem:s8+$0xC200] =	vst v24  }
0xbf: {  	v24 =	vld.idx.msk [tilespmem:v26+s4+$0x0], $0xffff  }
0xc0: {  	v25 =	vld.idx.msk [tilespmem:v27+s4+$0x0], $0xffff;
	_ =	sdelay $0x4  }
0xc1: {  	v24 =	vmul.f32 v24, v21;
	v25 =	vmul.f32 v25, v20;
	_ =	sdelay $0x1  }
0xc2: {  	v26 =	vadd.s32 $0x2B00, v22;
	v24 =	vadd.f32 v25, v24;
	_ =	sdelay $0x1  }
0xc3: {  	[tilespmem:s8+$0xC280] =	vst v24;
	v24 =	vadd.s32 $0x2B00, v23;
	_ =	sdelay $0x2  }
0xc4: {  	s19 =	sand.u32 $0x3, s23;
	v25 =	vld.idx.msk [tilespmem:v26+s4+$0x0], $0xffff  }
0xc5: {  	p6 =	seq.s32 s6, $0x0;
	p1 =	sne.s32 s19, $0x0;
	s26 =	sor.u32 $0x400, s0  }
0xc6: {  	s7 =	sshll.u32 s7, $0xE;
	p0 =	por !p1, !p6;
	s21 =	smin.u32 s26, $0x1B80;
	v24 =	vld.idx.msk [tilespmem:v24+s4+$0x0], $0xffff  }
0xc7: {  	s19 =	simm.s32 $0x1;
	p0 =	por !p0, !p0;
	s10 =	sshll.u32 s21, $0x3  }
0xc8: {  	s6 =	sshrl.u32 s6, $0x3;
	s19 =	simm.s32 @!p0 $0x0;
	s7 =	ssub.s32 s7, s10  }
0xc9: {  	s6 =	ssub.s32 s6, s19;
	s28 =	sadd.s32 $0x2400, s7;
	s7 =	simm.s32 $0x10;
	v22 =	vadd.s32 $0x2B80, v22;
	v23 =	vadd.s32 $0x2B80, v23;
	v25 =	vmul.f32 v25, v21  }
.LBB2_3:
0xca: {  	p0 =	sne.s32 s7, $0x3F0  }
0xcb: {  	v24 =	vmul.f32 v24, v20;
	s9 =	sadd.s32 $0x80, s9;
	s10 =	smov.u32 s7;
	s7 =	sadd.s32 $0x10, s7  }
0xcc: {  	_ = 	snop  }
0xcd: {  	v24 =	vadd.f32 v24, v25;
	_ =	sdelay $0x1  }
0xce: {  	[tilespmem:s8+$0xC300] =	vst v24  }
0xcf: {  	v22 =	vld.idx.msk [tilespmem:v22+s4+$0x0], $0xffff  }
0xd0: {  	v23 =	vld.idx.msk [tilespmem:v23+s4+$0x0], $0xffff;
	_ =	sdelay $0x4  }
0xd1: {  	v21 =	vmul.f32 v22, v21  }
0xd2: {  	v20 =	vmul.f32 v23, v20;
	_ =	sdelay $0x1  }
0xd3: {  	s21 =	sadd.s32 s9, s3;
	v20 =	vadd.f32 v20, v21  }
0xd4: {  	s19 =	sand.u32 $0x70, s10;
	s21 =	sand.u32 $0xFFFFFC00, s21  }
0xd5: {  	s21 =	sor.u32 s19, s21;
	[tilespmem:s8+$0xC380] =	vst v20  }
0xd6: {  	v20 =	vld [tilespmem:s21+$0x0]  }
0xd7: {  	v21 =	vld [tilespmem:s21+$0x80]  }
0xd8: {  	v22 =	vld [tilespmem:s21+$0x100];
	_ =	sdelay $0x1  }
0xd9: {  	v23 =	vld [tilespmem:s21+$0x180]  }
0xda: {  	v20 =	vmul.f32 v20, v2  }
0xdb: {  	v21 =	vmul.f32 v21, v3;
	v24 =	vld [tilespmem:s21+$0x200]  }
0xdc: {  	v22 =	vmul.f32 v22, v4  }
0xdd: {  	v20 =	vadd.f32 v21, v20;
	v21 =	vld [tilespmem:s21+$0x280]  }
0xde: {  	v23 =	vmul.f32 v23, v5  }
0xdf: {  	v20 =	vadd.f32 v22, v20;
	v22 =	vld [tilespmem:s21+$0x300]  }
0xe0: {  	v24 =	vmul.f32 v24, v6  }
0xe1: {  	v20 =	vadd.f32 v23, v20;
	v23 =	vld [tilespmem:s21+$0x380]  }
0xe2: {  	v21 =	vmul.f32 v21, v7  }
0xe3: {  	v20 =	vadd.f32 v24, v20;
	v24 =	vld [tilespmem:s21+$0x2800]  }
0xe4: {  	v22 =	vmul.f32 v22, v8  }
0xe5: {  	v20 =	vadd.f32 v21, v20;
	v21 =	vld [tilespmem:s21+$0x2880]  }
0xe6: {  	v23 =	vmul.f32 v23, v9  }
0xe7: {  	v20 =	vadd.f32 v22, v20;
	v22 =	vld [tilespmem:s21+$0x2900]  }
0xe8: {  	v24 =	vmul.f32 v24, v10  }
0xe9: {  	v20 =	vadd.f32 v23, v20;
	v23 =	vld [tilespmem:s21+$0x2980]  }
0xea: {  	v21 =	vmul.f32 v21, v11  }
0xeb: {  	v20 =	vadd.f32 v24, v20;
	v24 =	vld [tilespmem:s21+$0x2A00]  }
0xec: {  	v22 =	vmul.f32 v22, v12  }
0xed: {  	v20 =	vadd.f32 v21, v20;
	v21 =	vld [tilespmem:s21+$0x2A80]  }
0xee: {  	v23 =	vmul.f32 v23, v13  }
0xef: {  	v20 =	vadd.f32 v22, v20;
	v22 =	vld [tilespmem:s21+$0x2B00]  }
0xf0: {  	v24 =	vmul.f32 v24, v14  }
0xf1: {  	v20 =	vadd.f32 v23, v20;
	v23 =	vld [tilespmem:s21+$0x2B80]  }
0xf2: {  	v21 =	vmul.f32 v21, v15  }
0xf3: {  	v20 =	vadd.f32 v24, v20  }
0xf4: {  	v22 =	vmul.f32 v22, v16  }
0xf5: {  	v20 =	vadd.f32 v21, v20  }
0xf6: {  	v21 =	vmul.f32 v23, v17  }
0xf7: {  	v20 =	vadd.f32 v22, v20;
	_ =	sdelay $0x1  }
0xf8: {  	v20 =	vadd.f32 v21, v20;
	_ =	sdelay $0x1  }
0xf9: {  	v20 =	vadd.f32 v20, v18;
	_ =	sdelay $0x1  }
0xfa: {  	v21 =	vadd.f32 v20, v20;
	v22 =	vand.u32 $0x7FFFFFFF, v20;
	v23 =	vmul.f32 v20, v20;
	_ =	sdelay $0x1  }
0xfb: {  	v21 =	vmul.f32 $1.442695020e+00, v21;
	v23 =	vmul.f32 $-3.333333430e-01, v23;
	_ =	sdelay $0x1  }
0xfc: {  	v23 =	vadd.f32 $1.000000000e+00, v23;
	(erf) = vpow2.f32 v21;
	_ =	sdelay $0x1  }
0xfd: {  	v20 =	vmul.f32 v23, v20;
	_ =	sdelay $0x6  }
0xfe: {  	v21 =	vpop (erf)  }
0xff: {  	v21 =	vadd.f32 $1.000000000e+00, v21;
	_ =	sdelay $0x1  }
0x100: {  	(erf) = vrcp.f32 v21;
	_ =	sdelay $0x8  }
0x101: {  	v21 =	vpop (erf)  }
0x102: {  	s8 =	sadd.s32 s10, s0;
	v21 =	vadd.f32 v21, v21  }
0x103: {  	v23 =	vor.u32 s8, v0  }
0x104: {  	vm0 =	vlt.f32 v22, $9.765625000e-04;
	v22 =	vcvt.s32.f32 v23;
	v21 =	vsub.f32 $1.000000000e+00, v21;
	_ =	sdelay $0x1  }
0x105: {  	v20 =	vsel vm0, v20, v21  }
0x106: {  	v20 =	vadd.f32 v22, v20;
	_ =	sdelay $0x1  }
0x107: {  	v21 =	vtrunc.f32 v20  }
0x108: {  	v22 =	vcvt.f32.s32 v21;
	vm0 =	vlt.f32 v20, v21  }
0x109: {  	v21 =	vsel vm0, $0xFFFFFFFF, v1  }
0x10a: {  	v21 =	vadd.s32 v22, v21  }
0x10b: {  	v22 =	vadd.s32 $0x1, v21;
	vm0 =	vgt.s32 v21, $0x0  }
0x10c: {  	v21 =	vnsel vm0, $0x0, v21;
	vm0 =	vgt.s32 v22, $0x0  }
0x10d: {  	v21 =	vmin.u32 v21, $0x1FFF;
	v22 =	vnsel vm0, $0x0, v22  }
0x10e: {  	v22 =	vmin.u32 v22, $0x1FFF;
	v26 =	vcvt.s32.f32 v21;
	v23 =	vsub.s32 v21, v19  }
0x10f: {  	v21 =	vand.u32 $0x7F, v21;
	v24 =	vsub.s32 v22, v19;
	v23 =	vshll.u32 v23, $0x3  }
0x110: {  	v25 =	vand.u32 $0x7F, v22;
	v23 =	vand.u32 $0xFFFFFC00, v23;
	v27 =	vshll.u32 v24, $0x3  }
0x111: {  	v28 =	vcvt.s32.f32 v22;
	v24 =	vor.u32 v21, v23;
	v21 =	vand.u32 $0xFFFFFC00, v27  }
0x112: {  	v25 =	vor.u32 v25, v21;
	v22 =	vadd.s32 $0x2B80, v24  }
0x113: {  	v23 =	vadd.s32 $0x2B80, v25;
	_ =	sdelay $0x2  }
0x114: {  	v27 =	vld.idx.msk [tilespmem:v24+s4+$0x0], $0xffff  }
0x115: {  	v29 =	vld.idx.msk [tilespmem:v25+s4+$0x0], $0xffff;
	_ =	sdelay $0x2  }
0x116: {  	v21 =	vsub.f32 v28, v20;
	v20 =	vsub.f32 v20, v26;
	_ =	sdelay $0x1  }
0x117: {  	v26 =	vmul.f32 v21, v27  }
0x118: {  	v28 =	vor.u32 $0x80, v24;
	v27 =	vmul.f32 v20, v29;
	v29 =	vor.u32 $0x80, v25  }
0x119: {  	s8 =	sand.u32 $0x1C00, s9  }
0x11a: {  	s8 =	sor.u32 s19, s8;
	v26 =	vadd.f32 v26, v27;
	_ =	sdelay $0x1  }
0x11b: {  	[tilespmem:s8+$0xA000] =	vst v26  }
0x11c: {  	v26 =	vld.idx.msk [tilespmem:v28+s4+$0x0], $0xffff  }
0x11d: {  	v27 =	vld.idx.msk [tilespmem:v29+s4+$0x0], $0xffff;
	_ =	sdelay $0x4  }
0x11e: {  	v26 =	vmul.f32 v21, v26  }
0x11f: {  	v28 =	vor.u32 $0x100, v24;
	v29 =	vor.u32 $0x100, v25;
	v27 =	vmul.f32 v20, v27;
	_ =	sdelay $0x1  }
0x120: {  	v26 =	vadd.f32 v26, v27;
	_ =	sdelay $0x1  }
0x121: {  	[tilespmem:s8+$0xA080] =	vst v26  }
0x122: {  	v26 =	vld.idx.msk [tilespmem:v28+s4+$0x0], $0xffff  }
0x123: {  	v27 =	vld.idx.msk [tilespmem:v29+s4+$0x0], $0xffff;
	_ =	sdelay $0x4  }
0x124: {  	v26 =	vmul.f32 v21, v26  }
0x125: {  	v28 =	vor.u32 $0x180, v24;
	v29 =	vor.u32 $0x180, v25;
	v27 =	vmul.f32 v20, v27;
	_ =	sdelay $0x1  }
0x126: {  	v26 =	vadd.f32 v26, v27;
	_ =	sdelay $0x1  }
0x127: {  	[tilespmem:s8+$0xA100] =	vst v26  }
0x128: {  	v26 =	vld.idx.msk [tilespmem:v28+s4+$0x0], $0xffff  }
0x129: {  	v27 =	vld.idx.msk [tilespmem:v29+s4+$0x0], $0xffff;
	_ =	sdelay $0x4  }
0x12a: {  	v26 =	vmul.f32 v21, v26  }
0x12b: {  	v28 =	vor.u32 $0x200, v24;
	v29 =	vor.u32 $0x200, v25;
	v27 =	vmul.f32 v20, v27;
	_ =	sdelay $0x1  }
0x12c: {  	v26 =	vadd.f32 v26, v27;
	_ =	sdelay $0x1  }
0x12d: {  	[tilespmem:s8+$0xA180] =	vst v26  }
0x12e: {  	v26 =	vld.idx.msk [tilespmem:v28+s4+$0x0], $0xffff  }
0x12f: {  	v27 =	vld.idx.msk [tilespmem:v29+s4+$0x0], $0xffff;
	_ =	sdelay $0x4  }
0x130: {  	v26 =	vmul.f32 v21, v26  }
0x131: {  	v28 =	vor.u32 $0x280, v24;
	v29 =	vor.u32 $0x280, v25;
	v27 =	vmul.f32 v20, v27;
	_ =	sdelay $0x1  }
0x132: {  	v26 =	vadd.f32 v26, v27;
	_ =	sdelay $0x1  }
0x133: {  	[tilespmem:s8+$0xA200] =	vst v26  }
0x134: {  	v26 =	vld.idx.msk [tilespmem:v28+s4+$0x0], $0xffff  }
0x135: {  	v27 =	vld.idx.msk [tilespmem:v29+s4+$0x0], $0xffff;
	_ =	sdelay $0x4  }
0x136: {  	v26 =	vmul.f32 v21, v26  }
0x137: {  	v28 =	vor.u32 $0x300, v24;
	v29 =	vor.u32 $0x300, v25;
	v27 =	vmul.f32 v20, v27;
	_ =	sdelay $0x1  }
0x138: {  	v26 =	vadd.f32 v26, v27;
	_ =	sdelay $0x1  }
0x139: {  	[tilespmem:s8+$0xA280] =	vst v26  }
0x13a: {  	v26 =	vld.idx.msk [tilespmem:v28+s4+$0x0], $0xffff  }
0x13b: {  	v27 =	vld.idx.msk [tilespmem:v29+s4+$0x0], $0xffff;
	_ =	sdelay $0x4  }
0x13c: {  	v26 =	vmul.f32 v21, v26  }
0x13d: {  	v28 =	vor.u32 $0x380, v24;
	v29 =	vor.u32 $0x380, v25;
	v27 =	vmul.f32 v20, v27;
	_ =	sdelay $0x1  }
0x13e: {  	v26 =	vadd.f32 v26, v27;
	_ =	sdelay $0x1  }
0x13f: {  	[tilespmem:s8+$0xA300] =	vst v26  }
0x140: {  	v26 =	vld.idx.msk [tilespmem:v28+s4+$0x0], $0xffff  }
0x141: {  	s10 =	sor.u32 s9, s10;
	v27 =	vld.idx.msk [tilespmem:v29+s4+$0x0], $0xffff  }
0x142: {  	s10 =	sor.u32 $0x380, s10;
	_ =	sdelay $0x3  }
0x143: {  	v26 =	vmul.f32 v26, v21  }
0x144: {  	v28 =	vadd.s32 $0x2800, v24;
	v29 =	vadd.s32 $0x2800, v25;
	v27 =	vmul.f32 v27, v20;
	_ =	sdelay $0x1  }
0x145: {  	v26 =	vadd.f32 v27, v26;
	_ =	sdelay $0x1  }
0x146: {  	[tilespmem:s10+$0xA000] =	vst v26  }
0x147: {  	v26 =	vld.idx.msk [tilespmem:v28+s4+$0x0], $0xffff  }
0x148: {  	v27 =	vld.idx.msk [tilespmem:v29+s4+$0x0], $0xffff;
	_ =	sdelay $0x4  }
0x149: {  	v26 =	vmul.f32 v26, v21  }
0x14a: {  	v28 =	vadd.s32 $0x2880, v24;
	v29 =	vadd.s32 $0x2880, v25;
	v27 =	vmul.f32 v27, v20;
	_ =	sdelay $0x1  }
0x14b: {  	v26 =	vadd.f32 v27, v26;
	_ =	sdelay $0x1  }
0x14c: {  	[tilespmem:s8+$0xC000] =	vst v26  }
0x14d: {  	v26 =	vld.idx.msk [tilespmem:v28+s4+$0x0], $0xffff  }
0x14e: {  	v27 =	vld.idx.msk [tilespmem:v29+s4+$0x0], $0xffff;
	_ =	sdelay $0x4  }
0x14f: {  	v26 =	vmul.f32 v26, v21  }
0x150: {  	v28 =	vadd.s32 $0x2900, v24;
	v29 =	vadd.s32 $0x2900, v25;
	v27 =	vmul.f32 v27, v20;
	_ =	sdelay $0x1  }
0x151: {  	v26 =	vadd.f32 v27, v26;
	_ =	sdelay $0x1  }
0x152: {  	[tilespmem:s8+$0xC080] =	vst v26  }
0x153: {  	v26 =	vld.idx.msk [tilespmem:v28+s4+$0x0], $0xffff  }
0x154: {  	v27 =	vld.idx.msk [tilespmem:v29+s4+$0x0], $0xffff;
	_ =	sdelay $0x4  }
0x155: {  	v26 =	vmul.f32 v26, v21  }
0x156: {  	v28 =	vadd.s32 $0x2980, v24;
	v29 =	vadd.s32 $0x2980, v25;
	v27 =	vmul.f32 v27, v20;
	_ =	sdelay $0x1  }
0x157: {  	v26 =	vadd.f32 v27, v26;
	_ =	sdelay $0x1  }
0x158: {  	[tilespmem:s8+$0xC100] =	vst v26  }
0x159: {  	v26 =	vld.idx.msk [tilespmem:v28+s4+$0x0], $0xffff  }
0x15a: {  	v27 =	vld.idx.msk [tilespmem:v29+s4+$0x0], $0xffff;
	_ =	sdelay $0x4  }
0x15b: {  	v26 =	vmul.f32 v26, v21  }
0x15c: {  	v28 =	vadd.s32 $0x2A00, v24;
	v29 =	vadd.s32 $0x2A00, v25;
	v27 =	vmul.f32 v27, v20;
	_ =	sdelay $0x1  }
0x15d: {  	v26 =	vadd.f32 v27, v26;
	_ =	sdelay $0x1  }
0x15e: {  	[tilespmem:s8+$0xC180] =	vst v26  }
0x15f: {  	v26 =	vld.idx.msk [tilespmem:v28+s4+$0x0], $0xffff  }
0x160: {  	v27 =	vld.idx.msk [tilespmem:v29+s4+$0x0], $0xffff;
	_ =	sdelay $0x4  }
0x161: {  	v26 =	vmul.f32 v26, v21  }
0x162: {  	v28 =	vadd.s32 $0x2A80, v24;
	v29 =	vadd.s32 $0x2A80, v25;
	v27 =	vmul.f32 v27, v20;
	_ =	sdelay $0x1  }
0x163: {  	v26 =	vadd.f32 v27, v26;
	_ =	sdelay $0x1  }
0x164: {  	[tilespmem:s8+$0xC200] =	vst v26  }
0x165: {  	v26 =	vld.idx.msk [tilespmem:v28+s4+$0x0], $0xffff  }
0x166: {  	v27 =	vld.idx.msk [tilespmem:v29+s4+$0x0], $0xffff;
	_ =	sdelay $0x4  }
0x167: {  	v26 =	vmul.f32 v26, v21  }
0x168: {  	v24 =	vadd.s32 $0x2B00, v24;
	v25 =	vadd.s32 $0x2B00, v25;
	v27 =	vmul.f32 v27, v20;
	_ =	sdelay $0x1  }
0x169: {  	v26 =	vadd.f32 v27, v26;
	_ =	sdelay $0x1  }
0x16a: {  	[tilespmem:s8+$0xC280] =	vst v26  }
0x16b: {  	v26 =	vld.idx.msk [tilespmem:v24+s4+$0x0], $0xffff  }
0x16c: {  	v24 =	vld.idx.msk [tilespmem:v25+s4+$0x0], $0xffff  }
.Ltmp0:
0x16d: {  	(pc) =	sbr.rel @p0 .LBB2_3-.Ltmp0, $2  }
0x16e: {  	_ =	sdelay $0x2  }
0x16f: {  	v25 =	vmul.f32 v26, v21  }
0x170: {  	v19 =	vmul.f32 v24, v20;
	_ =	sdelay $0x1  }
0x171: {  	v19 =	vadd.f32 v19, v25;
	_ =	sdelay $0x1  }
0x172: {  	[tilespmem:s8+$0xC300] =	vst v19  }
0x173: {  	v19 =	vld.idx.msk [tilespmem:v22+s4+$0x0], $0xffff  }
0x174: {  	v22 =	vld.idx.msk [tilespmem:v23+s4+$0x0], $0xffff;
	_ =	sdelay $0x4  }
0x175: {  	v19 =	vmul.f32 v19, v21;
	v20 =	vmul.f32 v22, v20;
	_ =	sdelay $0x1  }
0x176: {  	s0 =	sshll.u32 s6, $0xE;
	v19 =	vadd.f32 v20, v19  }
0x177: {  	s3 =	sadd.s32 s2, s31;
	s0 =	sand.u32 $0x1FFFC000, s0  }
0x178: {  	p0 =	seq.s32 s23, $0x7;
	s0 =	sadd.s32 s0, s3;
	[tilespmem:s8+$0xC380] =	vst v19  }
0x179: {  	[hbm4b:s0+s15] =	stream.strided.scatter [tilespmem:s16], [sflag:$0x3], $0x4000, s12, s15, $0x38;
	[tilespmem:$0x12C00] =	vst v63  }
0x17a: {  	s0 =	sadd.s32 @!p0 $0x2, s30  }
0x17b: {  	s3 =	sadd.s32 @!p0 s5, s0  }
0x17c: {  	s3 =	sshll.u32 @!p0 s3, $0xE  }
0x17d: {  	s0 =	sshll.u32 @!p0 s0, $0xA;
	s3 =	sand.u32 @!p0 $0xFE0000, s3  }
0x17e: {  	s0 =	sand.u32 @!p0 $0x1800, s0;
	s3 =	sadd.s32 @!p0 $0xFFFFFC00, s3  }
0x17f: {  	p1 =	seq.s32 @!p0 s23, $0x0;
	s0 =	smax.u32 @!p0 s0, $0x80;
	s3 =	sshrl.u32 @!p0 s3, $0x3  }
0x180: {  	s6 =	simm.s32 @!p0 $0x10000;
	_ =	swait.ge [sflag:s17], $0x5000;
	s0 =	sadd.s32 @!p0 s0, s3  }
0x181: {  	s7 =	simm.s32 @!p0 $0x0;
	[sflag:s17] =	ssyncset.done $0x0;
	s0 =	sand.u32 @!p0 $0x1FFFFF80, s0  }
0x182: {  	[sflag:s17] =	ssyncadd.s32 $0xFFFFB000;
	s3 =	simm.s32 @!p0 $0x2800;
	s0 =	sadd.s32 @!p0 s1, s0  }
0x183: {  	[tilespmem:s7], [sflag:$0x1] =	stream.strided.gather @!p0 [hbm4b:s0+s3], $0x5000, s6, s3, $0x38;
	[tilespmem:$0x12C00] =	vst v63  }
0x184: {  	p0 =	por p0, !p1  }
0x185: {  	s10 =	sadd.s32 $0x0, s28;
	s0 =	simm.s32 $0x0;
	_ =	swait.ge @p0 [sflag:s20], $0x4000  }
0x186: {  	s6 =	sand.u32 $0xFFFFFC00, s10;
	s19 =	sand.u32 $0x70, s0;
	[sflag:s20] =	ssyncset.done @p0 $0x0  }
0x187: {  	s6 =	sor.u32 s19, s6;
	[sflag:s20] =	ssyncadd.s32 @p0 $0xFFFFC000  }
0x188: {  	v19 =	vld [tilespmem:s6+$0x5000]  }
0x189: {  	v20 =	vld [tilespmem:s6+$0x5080];
	_ =	sdelay $0x1  }
0x18a: {  	v21 =	vld [tilespmem:s6+$0x5100];
	_ =	sdelay $0x1  }
0x18b: {  	v22 =	vld [tilespmem:s6+$0x5180]  }
0x18c: {  	v19 =	vmul.f32 v19, v2;
	v20 =	vmul.f32 v20, v3  }
0x18d: {  	v23 =	vld [tilespmem:s6+$0x5200]  }
0x18e: {  	v21 =	vmul.f32 v21, v4;
	v19 =	vadd.f32 v20, v19  }
0x18f: {  	v20 =	vld [tilespmem:s6+$0x5280]  }
0x190: {  	v22 =	vmul.f32 v22, v5;
	v19 =	vadd.f32 v21, v19  }
0x191: {  	v21 =	vld [tilespmem:s6+$0x5300]  }
0x192: {  	v23 =	vmul.f32 v23, v6;
	v19 =	vadd.f32 v22, v19  }
0x193: {  	v22 =	vld [tilespmem:s6+$0x5380]  }
0x194: {  	v20 =	vmul.f32 v20, v7;
	v19 =	vadd.f32 v23, v19  }
0x195: {  	v23 =	vld [tilespmem:s6+$0x7800]  }
0x196: {  	v21 =	vmul.f32 v21, v8;
	v19 =	vadd.f32 v20, v19  }
0x197: {  	v20 =	vld [tilespmem:s6+$0x7880]  }
0x198: {  	v22 =	vmul.f32 v22, v9;
	v19 =	vadd.f32 v21, v19  }
0x199: {  	v21 =	vld [tilespmem:s6+$0x7900]  }
0x19a: {  	v23 =	vmul.f32 v23, v10;
	v19 =	vadd.f32 v22, v19  }
0x19b: {  	v22 =	vld [tilespmem:s6+$0x7980]  }
0x19c: {  	v20 =	vmul.f32 v20, v11;
	v19 =	vadd.f32 v23, v19  }
0x19d: {  	v23 =	vld [tilespmem:s6+$0x7A00]  }
0x19e: {  	v21 =	vmul.f32 v21, v12;
	v19 =	vadd.f32 v20, v19  }
0x19f: {  	v20 =	vld [tilespmem:s6+$0x7A80]  }
0x1a0: {  	v22 =	vmul.f32 v22, v13;
	v19 =	vadd.f32 v21, v19  }
0x1a1: {  	v21 =	vld [tilespmem:s6+$0x7B00]  }
0x1a2: {  	v23 =	vmul.f32 v23, v14;
	v19 =	vadd.f32 v22, v19  }
0x1a3: {  	v22 =	vld [tilespmem:s6+$0x7B80]  }
0x1a4: {  	v20 =	vmul.f32 v20, v15;
	v19 =	vadd.f32 v23, v19;
	_ =	sdelay $0x1  }
0x1a5: {  	v21 =	vmul.f32 v21, v16;
	v19 =	vadd.f32 v20, v19;
	_ =	sdelay $0x1  }
0x1a6: {  	v20 =	vmul.f32 v22, v17;
	v19 =	vadd.f32 v21, v19;
	_ =	sdelay $0x1  }
0x1a7: {  	v19 =	vadd.f32 v20, v19;
	_ =	sdelay $0x1  }
0x1a8: {  	v19 =	vadd.f32 v19, v18;
	_ =	sdelay $0x1  }
0x1a9: {  	v20 =	vadd.f32 v19, v19;
	_ =	sdelay $0x1  }
0x1aa: {  	v20 =	vmul.f32 $1.442695020e+00, v20;
	_ =	sdelay $0x1  }
0x1ab: {  	(erf) = vpow2.f32 v20;
	_ =	sdelay $0x8  }
0x1ac: {  	v20 =	vpop (erf)  }
0x1ad: {  	v20 =	vadd.f32 $1.000000000e+00, v20;
	_ =	sdelay $0x1  }
0x1ae: {  	(erf) = vrcp.f32 v20;
	_ =	sdelay $0x5  }
0x1af: {  	v20 =	vmul.f32 v19, v19;
	_ =	sdelay $0x1  }
0x1b0: {  	v20 =	vmul.f32 $-3.333333430e-01, v20  }
0x1b1: {  	v21 =	vpop (erf)  }
0x1b2: {  	v20 =	vadd.f32 $1.000000000e+00, v20;
	v21 =	vadd.f32 v21, v21  }
0x1b3: {  	s21 =	sadd.s32 $0x0, s26;
	v22 =	vand.u32 $0x7FFFFFFF, v19  }
0x1b4: {  	v19 =	vmul.f32 v20, v19;
	v20 =	vor.u32 s21, v0;
	v21 =	vsub.f32 $1.000000000e+00, v21  }
0x1b5: {  	vm0 =	vlt.f32 v22, $9.765625000e-04;
	v20 =	vcvt.s32.f32 v20  }
0x1b6: {  	v19 =	vsel vm0, v19, v21  }
0x1b7: {  	v20 =	vadd.f32 v20, v19;
	_ =	sdelay $0x1  }
0x1b8: {  	v19 =	vtrunc.f32 v20  }
0x1b9: {  	v21 =	vcvt.f32.s32 v19;
	vm13 =	vlt.f32 v20, v19  }
0x1ba: {  	v19 =	vsel vm13, $0xFFFFFFFF, v1  }
0x1bb: {  	v19 =	vadd.s32 v21, v19  }
0x1bc: {  	v21 =	vadd.s32 $0x1, v19;
	vm14 =	vgt.s32 v19, $0x0  }
0x1bd: {  	v22 =	vnsel vm14, $0x0, v19;
	vm15 =	vgt.s32 v21, $0x0  }
0x1be: {  	v19 =	vmov s29;
	v22 =	vmin.u32 v22, $0x1FFF;
	v21 =	vnsel vm15, $0x0, v21  }
0x1bf: {  	v21 =	vmin.u32 v21, $0x1FFF;
	v23 =	vsub.s32 v22, v19  }
0x1c0: {  	v24 =	vsub.s32 v21, v19;
	v23 =	vshll.u32 v23, $0x3  }
0x1c1: {  	v25 =	vand.u32 $0x7F, v22;
	v23 =	vand.u32 $0xFFFFFC00, v23;
	v24 =	vshll.u32 v24, $0x3  }
0x1c2: {  	v26 =	vand.u32 $0x7F, v21;
	v23 =	vor.u32 v25, v23;
	v24 =	vand.u32 $0xFFFFFC00, v24  }
0x1c3: {  	v24 =	vor.u32 v26, v24;
	_ =	sdelay $0x3  }
0x1c4: {  	v25 =	vld.idx.msk [tilespmem:v23+s14+$0x0], $0xffff  }
0x1c5: {  	v26 =	vld.idx.msk [tilespmem:v24+s14+$0x0], $0xffff  }
0x1c6: {  	v22 =	vcvt.s32.f32 v22;
	v21 =	vcvt.s32.f32 v21;
	_ =	sdelay $0x1  }
0x1c7: {  	v21 =	vsub.f32 v21, v20;
	v20 =	vsub.f32 v20, v22;
	_ =	sdelay $0x1  }
0x1c8: {  	v22 =	vmul.f32 v21, v25;
	v25 =	vmul.f32 v20, v26;
	v26 =	vor.u32 $0x80, v23  }
0x1c9: {  	v27 =	vor.u32 $0x80, v24  }
0x1ca: {  	s30 =	sand.u32 $0x1C00, s0;
	v22 =	vadd.f32 v22, v25  }
0x1cb: {  	s6 =	sor.u32 s19, s30  }
0x1cc: {  	[tilespmem:s6+$0xE000] =	vst v22  }
0x1cd: {  	v22 =	vld.idx.msk [tilespmem:v26+s14+$0x0], $0xffff  }
0x1ce: {  	v25 =	vld.idx.msk [tilespmem:v27+s14+$0x0], $0xffff;
	_ =	sdelay $0x4  }
0x1cf: {  	v26 =	vor.u32 $0x100, v23;
	v22 =	vmul.f32 v21, v22;
	v25 =	vmul.f32 v20, v25  }
0x1d0: {  	v27 =	vor.u32 $0x100, v24  }
0x1d1: {  	v22 =	vadd.f32 v22, v25;
	_ =	sdelay $0x1  }
0x1d2: {  	[tilespmem:s6+$0xE080] =	vst v22  }
0x1d3: {  	v22 =	vld.idx.msk [tilespmem:v26+s14+$0x0], $0xffff  }
0x1d4: {  	v25 =	vld.idx.msk [tilespmem:v27+s14+$0x0], $0xffff;
	_ =	sdelay $0x4  }
0x1d5: {  	v26 =	vor.u32 $0x180, v23;
	v22 =	vmul.f32 v21, v22;
	v25 =	vmul.f32 v20, v25  }
0x1d6: {  	v27 =	vor.u32 $0x180, v24  }
0x1d7: {  	v22 =	vadd.f32 v22, v25;
	_ =	sdelay $0x1  }
0x1d8: {  	[tilespmem:s6+$0xE100] =	vst v22  }
0x1d9: {  	v22 =	vld.idx.msk [tilespmem:v26+s14+$0x0], $0xffff  }
0x1da: {  	v25 =	vld.idx.msk [tilespmem:v27+s14+$0x0], $0xffff;
	_ =	sdelay $0x4  }
0x1db: {  	v26 =	vor.u32 $0x200, v23;
	v22 =	vmul.f32 v21, v22;
	v25 =	vmul.f32 v20, v25  }
0x1dc: {  	v27 =	vor.u32 $0x200, v24  }
0x1dd: {  	v22 =	vadd.f32 v22, v25;
	_ =	sdelay $0x1  }
0x1de: {  	[tilespmem:s6+$0xE180] =	vst v22  }
0x1df: {  	v22 =	vld.idx.msk [tilespmem:v26+s14+$0x0], $0xffff  }
0x1e0: {  	v25 =	vld.idx.msk [tilespmem:v27+s14+$0x0], $0xffff;
	_ =	sdelay $0x4  }
0x1e1: {  	v26 =	vor.u32 $0x280, v23;
	v22 =	vmul.f32 v21, v22;
	v25 =	vmul.f32 v20, v25  }
0x1e2: {  	v27 =	vor.u32 $0x280, v24  }
0x1e3: {  	v22 =	vadd.f32 v22, v25;
	_ =	sdelay $0x1  }
0x1e4: {  	[tilespmem:s6+$0xE200] =	vst v22  }
0x1e5: {  	v22 =	vld.idx.msk [tilespmem:v26+s14+$0x0], $0xffff  }
0x1e6: {  	v25 =	vld.idx.msk [tilespmem:v27+s14+$0x0], $0xffff;
	_ =	sdelay $0x4  }
0x1e7: {  	v26 =	vor.u32 $0x300, v23;
	v22 =	vmul.f32 v21, v22;
	v25 =	vmul.f32 v20, v25  }
0x1e8: {  	v27 =	vor.u32 $0x300, v24  }
0x1e9: {  	v22 =	vadd.f32 v22, v25;
	_ =	sdelay $0x1  }
0x1ea: {  	[tilespmem:s6+$0xE280] =	vst v22  }
0x1eb: {  	v22 =	vld.idx.msk [tilespmem:v26+s14+$0x0], $0xffff  }
0x1ec: {  	v25 =	vld.idx.msk [tilespmem:v27+s14+$0x0], $0xffff;
	_ =	sdelay $0x4  }
0x1ed: {  	v26 =	vor.u32 $0x380, v23;
	v22 =	vmul.f32 v21, v22;
	v25 =	vmul.f32 v20, v25  }
0x1ee: {  	v27 =	vor.u32 $0x380, v24  }
0x1ef: {  	v22 =	vadd.f32 v22, v25;
	_ =	sdelay $0x1  }
0x1f0: {  	[tilespmem:s6+$0xE300] =	vst v22  }
0x1f1: {  	v22 =	vld.idx.msk [tilespmem:v26+s14+$0x0], $0xffff  }
0x1f2: {  	v25 =	vld.idx.msk [tilespmem:v27+s14+$0x0], $0xffff;
	_ =	sdelay $0x4  }
0x1f3: {  	v26 =	vadd.s32 $0x2800, v23;
	v22 =	vmul.f32 v22, v21;
	v25 =	vmul.f32 v25, v20  }
0x1f4: {  	v27 =	vadd.s32 $0x2800, v24  }
0x1f5: {  	s31 =	sor.u32 s0, s0;
	v22 =	vadd.f32 v25, v22  }
0x1f6: {  	s3 =	sor.u32 $0x380, s31  }
0x1f7: {  	[tilespmem:s3+$0xE000] =	vst v22  }
0x1f8: {  	v22 =	vld.idx.msk [tilespmem:v26+s14+$0x0], $0xffff  }
0x1f9: {  	v25 =	vld.idx.msk [tilespmem:v27+s14+$0x0], $0xffff;
	_ =	sdelay $0x4  }
0x1fa: {  	v26 =	vadd.s32 $0x2880, v23;
	v22 =	vmul.f32 v22, v21;
	v25 =	vmul.f32 v25, v20  }
0x1fb: {  	v27 =	vadd.s32 $0x2880, v24  }
0x1fc: {  	v22 =	vadd.f32 v25, v22;
	_ =	sdelay $0x1  }
0x1fd: {  	[tilespmem:s6+$0x10000] =	vst v22  }
0x1fe: {  	v22 =	vld.idx.msk [tilespmem:v26+s14+$0x0], $0xffff  }
0x1ff: {  	v25 =	vld.idx.msk [tilespmem:v27+s14+$0x0], $0xffff;
	_ =	sdelay $0x4  }
0x200: {  	v26 =	vadd.s32 $0x2900, v23;
	v22 =	vmul.f32 v22, v21;
	v25 =	vmul.f32 v25, v20  }
0x201: {  	v27 =	vadd.s32 $0x2900, v24  }
0x202: {  	v22 =	vadd.f32 v25, v22;
	_ =	sdelay $0x1  }
0x203: {  	[tilespmem:s6+$0x10080] =	vst v22  }
0x204: {  	v22 =	vld.idx.msk [tilespmem:v26+s14+$0x0], $0xffff  }
0x205: {  	v25 =	vld.idx.msk [tilespmem:v27+s14+$0x0], $0xffff;
	_ =	sdelay $0x4  }
0x206: {  	v26 =	vadd.s32 $0x2980, v23;
	v22 =	vmul.f32 v22, v21;
	v25 =	vmul.f32 v25, v20  }
0x207: {  	v27 =	vadd.s32 $0x2980, v24  }
0x208: {  	v22 =	vadd.f32 v25, v22;
	_ =	sdelay $0x1  }
0x209: {  	[tilespmem:s6+$0x10100] =	vst v22  }
0x20a: {  	v22 =	vld.idx.msk [tilespmem:v26+s14+$0x0], $0xffff  }
0x20b: {  	v25 =	vld.idx.msk [tilespmem:v27+s14+$0x0], $0xffff;
	_ =	sdelay $0x4  }
0x20c: {  	v26 =	vadd.s32 $0x2A00, v23;
	v22 =	vmul.f32 v22, v21;
	v25 =	vmul.f32 v25, v20  }
0x20d: {  	v27 =	vadd.s32 $0x2A00, v24  }
0x20e: {  	v22 =	vadd.f32 v25, v22;
	_ =	sdelay $0x1  }
0x20f: {  	[tilespmem:s6+$0x10180] =	vst v22  }
0x210: {  	v22 =	vld.idx.msk [tilespmem:v26+s14+$0x0], $0xffff  }
0x211: {  	v25 =	vld.idx.msk [tilespmem:v27+s14+$0x0], $0xffff;
	_ =	sdelay $0x4  }
0x212: {  	v26 =	vadd.s32 $0x2A80, v23;
	v22 =	vmul.f32 v22, v21;
	v25 =	vmul.f32 v25, v20  }
0x213: {  	v27 =	vadd.s32 $0x2A80, v24  }
0x214: {  	v22 =	vadd.f32 v25, v22;
	_ =	sdelay $0x1  }
0x215: {  	[tilespmem:s6+$0x10200] =	vst v22  }
0x216: {  	v22 =	vld.idx.msk [tilespmem:v26+s14+$0x0], $0xffff  }
0x217: {  	v25 =	vld.idx.msk [tilespmem:v27+s14+$0x0], $0xffff;
	_ =	sdelay $0x4  }
0x218: {  	v26 =	vadd.s32 $0x2B00, v23;
	v22 =	vmul.f32 v22, v21;
	v25 =	vmul.f32 v25, v20;
	_ =	sdelay $0x1  }
0x219: {  	v22 =	vadd.f32 v25, v22;
	v25 =	vadd.s32 $0x2B00, v24;
	_ =	sdelay $0x1  }
0x21a: {  	[tilespmem:s6+$0x10280] =	vst v22  }
0x21b: {  	v26 =	vld.idx.msk [tilespmem:v26+s14+$0x0], $0xffff;
	_ =	sdelay $0x1  }
0x21c: {  	v22 =	vadd.s32 $0x2B80, v23;
	v23 =	vadd.s32 $0x2B80, v24;
	v24 =	vld.idx.msk [tilespmem:v25+s14+$0x0], $0xffff;
	_ =	sdelay $0x2  }
0x21d: {  	s3 =	simm.s32 $0x10;
	v25 =	vmul.f32 v26, v21  }
.LBB2_5:
0x21e: {  	p0 =	sne.s32 s3, $0x3F0  }
0x21f: {  	v24 =	vmul.f32 v24, v20;
	s0 =	sadd.s32 $0x80, s0;
	s7 =	smov.u32 s3;
	s3 =	sadd.s32 $0x10, s3  }
0x220: {  	_ = 	snop  }
0x221: {  	v24 =	vadd.f32 v24, v25;
	_ =	sdelay $0x1  }
0x222: {  	[tilespmem:s6+$0x10300] =	vst v24  }
0x223: {  	v22 =	vld.idx.msk [tilespmem:v22+s14+$0x0], $0xffff  }
0x224: {  	v23 =	vld.idx.msk [tilespmem:v23+s14+$0x0], $0xffff;
	_ =	sdelay $0x4  }
0x225: {  	v21 =	vmul.f32 v22, v21  }
0x226: {  	v20 =	vmul.f32 v23, v20;
	_ =	sdelay $0x1  }
0x227: {  	s9 =	sadd.s32 s0, s28;
	v20 =	vadd.f32 v20, v21  }
0x228: {  	s8 =	sand.u32 $0x70, s7;
	s9 =	sand.u32 $0xFFFFFC00, s9  }
0x229: {  	s9 =	sor.u32 s8, s9;
	[tilespmem:s6+$0x10380] =	vst v20  }
0x22a: {  	v20 =	vld [tilespmem:s9+$0x5000]  }
0x22b: {  	v21 =	vld [tilespmem:s9+$0x5080]  }
0x22c: {  	v22 =	vld [tilespmem:s9+$0x5100];
	_ =	sdelay $0x1  }
0x22d: {  	v23 =	vld [tilespmem:s9+$0x5180]  }
0x22e: {  	v20 =	vmul.f32 v20, v2  }
0x22f: {  	v21 =	vmul.f32 v21, v3;
	v24 =	vld [tilespmem:s9+$0x5200]  }
0x230: {  	v22 =	vmul.f32 v22, v4  }
0x231: {  	v20 =	vadd.f32 v21, v20;
	v21 =	vld [tilespmem:s9+$0x5280]  }
0x232: {  	v23 =	vmul.f32 v23, v5  }
0x233: {  	v20 =	vadd.f32 v22, v20;
	v22 =	vld [tilespmem:s9+$0x5300]  }
0x234: {  	v24 =	vmul.f32 v24, v6  }
0x235: {  	v20 =	vadd.f32 v23, v20;
	v23 =	vld [tilespmem:s9+$0x5380]  }
0x236: {  	v21 =	vmul.f32 v21, v7  }
0x237: {  	v20 =	vadd.f32 v24, v20;
	v24 =	vld [tilespmem:s9+$0x7800]  }
0x238: {  	v22 =	vmul.f32 v22, v8  }
0x239: {  	v20 =	vadd.f32 v21, v20;
	v21 =	vld [tilespmem:s9+$0x7880]  }
0x23a: {  	v23 =	vmul.f32 v23, v9  }
0x23b: {  	v20 =	vadd.f32 v22, v20;
	v22 =	vld [tilespmem:s9+$0x7900]  }
0x23c: {  	v24 =	vmul.f32 v24, v10  }
0x23d: {  	v20 =	vadd.f32 v23, v20;
	v23 =	vld [tilespmem:s9+$0x7980]  }
0x23e: {  	v21 =	vmul.f32 v21, v11  }
0x23f: {  	v20 =	vadd.f32 v24, v20;
	v24 =	vld [tilespmem:s9+$0x7A00]  }
0x240: {  	v22 =	vmul.f32 v22, v12  }
0x241: {  	v20 =	vadd.f32 v21, v20;
	v21 =	vld [tilespmem:s9+$0x7A80]  }
0x242: {  	v23 =	vmul.f32 v23, v13  }
0x243: {  	v20 =	vadd.f32 v22, v20;
	v22 =	vld [tilespmem:s9+$0x7B00]  }
0x244: {  	v24 =	vmul.f32 v24, v14  }
0x245: {  	v20 =	vadd.f32 v23, v20;
	v23 =	vld [tilespmem:s9+$0x7B80]  }
0x246: {  	v21 =	vmul.f32 v21, v15  }
0x247: {  	v20 =	vadd.f32 v24, v20  }
0x248: {  	v22 =	vmul.f32 v22, v16  }
0x249: {  	v20 =	vadd.f32 v21, v20  }
0x24a: {  	v21 =	vmul.f32 v23, v17  }
0x24b: {  	v20 =	vadd.f32 v22, v20;
	_ =	sdelay $0x1  }
0x24c: {  	v20 =	vadd.f32 v21, v20;
	_ =	sdelay $0x1  }
0x24d: {  	v20 =	vadd.f32 v20, v18;
	_ =	sdelay $0x1  }
0x24e: {  	v21 =	vadd.f32 v20, v20;
	v22 =	vand.u32 $0x7FFFFFFF, v20;
	v23 =	vmul.f32 v20, v20;
	_ =	sdelay $0x1  }
0x24f: {  	v21 =	vmul.f32 $1.442695020e+00, v21;
	v23 =	vmul.f32 $-3.333333430e-01, v23;
	_ =	sdelay $0x1  }
0x250: {  	v23 =	vadd.f32 $1.000000000e+00, v23;
	(erf) = vpow2.f32 v21;
	_ =	sdelay $0x1  }
0x251: {  	v20 =	vmul.f32 v23, v20;
	_ =	sdelay $0x6  }
0x252: {  	v21 =	vpop (erf)  }
0x253: {  	v21 =	vadd.f32 $1.000000000e+00, v21;
	_ =	sdelay $0x1  }
0x254: {  	(erf) = vrcp.f32 v21;
	_ =	sdelay $0x8  }
0x255: {  	v21 =	vpop (erf)  }
0x256: {  	s6 =	sadd.s32 s7, s26;
	v21 =	vadd.f32 v21, v21  }
0x257: {  	v23 =	vor.u32 s6, v0  }
0x258: {  	vm0 =	vlt.f32 v22, $9.765625000e-04;
	v22 =	vcvt.s32.f32 v23;
	v21 =	vsub.f32 $1.000000000e+00, v21;
	_ =	sdelay $0x1  }
0x259: {  	v20 =	vsel vm0, v20, v21  }
0x25a: {  	v20 =	vadd.f32 v22, v20;
	_ =	sdelay $0x1  }
0x25b: {  	v21 =	vtrunc.f32 v20  }
0x25c: {  	v22 =	vcvt.f32.s32 v21;
	vm0 =	vlt.f32 v20, v21  }
0x25d: {  	v21 =	vsel vm0, $0xFFFFFFFF, v1  }
0x25e: {  	v21 =	vadd.s32 v22, v21  }
0x25f: {  	v22 =	vadd.s32 $0x1, v21;
	vm0 =	vgt.s32 v21, $0x0  }
0x260: {  	v21 =	vnsel vm0, $0x0, v21;
	vm0 =	vgt.s32 v22, $0x0  }
0x261: {  	v21 =	vmin.u32 v21, $0x1FFF;
	v22 =	vnsel vm0, $0x0, v22  }
0x262: {  	v22 =	vmin.u32 v22, $0x1FFF;
	v26 =	vcvt.s32.f32 v21;
	v23 =	vsub.s32 v21, v19  }
0x263: {  	v21 =	vand.u32 $0x7F, v21;
	v24 =	vsub.s32 v22, v19;
	v23 =	vshll.u32 v23, $0x3  }
0x264: {  	v25 =	vand.u32 $0x7F, v22;
	v23 =	vand.u32 $0xFFFFFC00, v23;
	v27 =	vshll.u32 v24, $0x3  }
0x265: {  	v28 =	vcvt.s32.f32 v22;
	v24 =	vor.u32 v21, v23;
	v21 =	vand.u32 $0xFFFFFC00, v27  }
0x266: {  	v25 =	vor.u32 v25, v21;
	v22 =	vadd.s32 $0x2B80, v24  }
0x267: {  	v23 =	vadd.s32 $0x2B80, v25;
	_ =	sdelay $0x2  }
0x268: {  	v27 =	vld.idx.msk [tilespmem:v24+s14+$0x0], $0xffff  }
0x269: {  	v29 =	vld.idx.msk [tilespmem:v25+s14+$0x0], $0xffff;
	_ =	sdelay $0x2  }
0x26a: {  	v21 =	vsub.f32 v28, v20;
	v20 =	vsub.f32 v20, v26;
	_ =	sdelay $0x1  }
0x26b: {  	v26 =	vmul.f32 v21, v27  }
0x26c: {  	v28 =	vor.u32 $0x80, v24;
	v27 =	vmul.f32 v20, v29;
	v29 =	vor.u32 $0x80, v25  }
0x26d: {  	s6 =	sand.u32 $0x1C00, s0  }
0x26e: {  	s6 =	sor.u32 s8, s6;
	v26 =	vadd.f32 v26, v27;
	_ =	sdelay $0x1  }
0x26f: {  	[tilespmem:s6+$0xE000] =	vst v26  }
0x270: {  	v26 =	vld.idx.msk [tilespmem:v28+s14+$0x0], $0xffff  }
0x271: {  	v27 =	vld.idx.msk [tilespmem:v29+s14+$0x0], $0xffff;
	_ =	sdelay $0x4  }
0x272: {  	v26 =	vmul.f32 v21, v26  }
0x273: {  	v28 =	vor.u32 $0x100, v24;
	v29 =	vor.u32 $0x100, v25;
	v27 =	vmul.f32 v20, v27;
	_ =	sdelay $0x1  }
0x274: {  	v26 =	vadd.f32 v26, v27;
	_ =	sdelay $0x1  }
0x275: {  	[tilespmem:s6+$0xE080] =	vst v26  }
0x276: {  	v26 =	vld.idx.msk [tilespmem:v28+s14+$0x0], $0xffff  }
0x277: {  	v27 =	vld.idx.msk [tilespmem:v29+s14+$0x0], $0xffff;
	_ =	sdelay $0x4  }
0x278: {  	v26 =	vmul.f32 v21, v26  }
0x279: {  	v28 =	vor.u32 $0x180, v24;
	v29 =	vor.u32 $0x180, v25;
	v27 =	vmul.f32 v20, v27;
	_ =	sdelay $0x1  }
0x27a: {  	v26 =	vadd.f32 v26, v27;
	_ =	sdelay $0x1  }
0x27b: {  	[tilespmem:s6+$0xE100] =	vst v26  }
0x27c: {  	v26 =	vld.idx.msk [tilespmem:v28+s14+$0x0], $0xffff  }
0x27d: {  	v27 =	vld.idx.msk [tilespmem:v29+s14+$0x0], $0xffff;
	_ =	sdelay $0x4  }
0x27e: {  	v26 =	vmul.f32 v21, v26  }
0x27f: {  	v28 =	vor.u32 $0x200, v24;
	v29 =	vor.u32 $0x200, v25;
	v27 =	vmul.f32 v20, v27;
	_ =	sdelay $0x1  }
0x280: {  	v26 =	vadd.f32 v26, v27;
	_ =	sdelay $0x1  }
0x281: {  	[tilespmem:s6+$0xE180] =	vst v26  }
0x282: {  	v26 =	vld.idx.msk [tilespmem:v28+s14+$0x0], $0xffff  }
0x283: {  	v27 =	vld.idx.msk [tilespmem:v29+s14+$0x0], $0xffff;
	_ =	sdelay $0x4  }
0x284: {  	v26 =	vmul.f32 v21, v26  }
0x285: {  	v28 =	vor.u32 $0x280, v24;
	v29 =	vor.u32 $0x280, v25;
	v27 =	vmul.f32 v20, v27;
	_ =	sdelay $0x1  }
0x286: {  	v26 =	vadd.f32 v26, v27;
	_ =	sdelay $0x1  }
0x287: {  	[tilespmem:s6+$0xE200] =	vst v26  }
0x288: {  	v26 =	vld.idx.msk [tilespmem:v28+s14+$0x0], $0xffff  }
0x289: {  	v27 =	vld.idx.msk [tilespmem:v29+s14+$0x0], $0xffff;
	_ =	sdelay $0x4  }
0x28a: {  	v26 =	vmul.f32 v21, v26  }
0x28b: {  	v28 =	vor.u32 $0x300, v24;
	v29 =	vor.u32 $0x300, v25;
	v27 =	vmul.f32 v20, v27;
	_ =	sdelay $0x1  }
0x28c: {  	v26 =	vadd.f32 v26, v27;
	_ =	sdelay $0x1  }
0x28d: {  	[tilespmem:s6+$0xE280] =	vst v26  }
0x28e: {  	v26 =	vld.idx.msk [tilespmem:v28+s14+$0x0], $0xffff  }
0x28f: {  	v27 =	vld.idx.msk [tilespmem:v29+s14+$0x0], $0xffff;
	_ =	sdelay $0x4  }
0x290: {  	v26 =	vmul.f32 v21, v26  }
0x291: {  	v28 =	vor.u32 $0x380, v24;
	v29 =	vor.u32 $0x380, v25;
	v27 =	vmul.f32 v20, v27;
	_ =	sdelay $0x1  }
0x292: {  	v26 =	vadd.f32 v26, v27;
	_ =	sdelay $0x1  }
0x293: {  	[tilespmem:s6+$0xE300] =	vst v26  }
0x294: {  	v26 =	vld.idx.msk [tilespmem:v28+s14+$0x0], $0xffff  }
0x295: {  	s7 =	sor.u32 s0, s7;
	v27 =	vld.idx.msk [tilespmem:v29+s14+$0x0], $0xffff  }
0x296: {  	s7 =	sor.u32 $0x380, s7;
	_ =	sdelay $0x3  }
0x297: {  	v26 =	vmul.f32 v26, v21  }
0x298: {  	v28 =	vadd.s32 $0x2800, v24;
	v29 =	vadd.s32 $0x2800, v25;
	v27 =	vmul.f32 v27, v20;
	_ =	sdelay $0x1  }
0x299: {  	v26 =	vadd.f32 v27, v26;
	_ =	sdelay $0x1  }
0x29a: {  	[tilespmem:s7+$0xE000] =	vst v26  }
0x29b: {  	v26 =	vld.idx.msk [tilespmem:v28+s14+$0x0], $0xffff  }
0x29c: {  	v27 =	vld.idx.msk [tilespmem:v29+s14+$0x0], $0xffff;
	_ =	sdelay $0x4  }
0x29d: {  	v26 =	vmul.f32 v26, v21  }
0x29e: {  	v28 =	vadd.s32 $0x2880, v24;
	v29 =	vadd.s32 $0x2880, v25;
	v27 =	vmul.f32 v27, v20;
	_ =	sdelay $0x1  }
0x29f: {  	v26 =	vadd.f32 v27, v26;
	_ =	sdelay $0x1  }
0x2a0: {  	[tilespmem:s6+$0x10000] =	vst v26  }
0x2a1: {  	v26 =	vld.idx.msk [tilespmem:v28+s14+$0x0], $0xffff  }
0x2a2: {  	v27 =	vld.idx.msk [tilespmem:v29+s14+$0x0], $0xffff;
	_ =	sdelay $0x4  }
0x2a3: {  	v26 =	vmul.f32 v26, v21  }
0x2a4: {  	v28 =	vadd.s32 $0x2900, v24;
	v29 =	vadd.s32 $0x2900, v25;
	v27 =	vmul.f32 v27, v20;
	_ =	sdelay $0x1  }
0x2a5: {  	v26 =	vadd.f32 v27, v26;
	_ =	sdelay $0x1  }
0x2a6: {  	[tilespmem:s6+$0x10080] =	vst v26  }
0x2a7: {  	v26 =	vld.idx.msk [tilespmem:v28+s14+$0x0], $0xffff  }
0x2a8: {  	v27 =	vld.idx.msk [tilespmem:v29+s14+$0x0], $0xffff;
	_ =	sdelay $0x4  }
0x2a9: {  	v26 =	vmul.f32 v26, v21  }
0x2aa: {  	v28 =	vadd.s32 $0x2980, v24;
	v29 =	vadd.s32 $0x2980, v25;
	v27 =	vmul.f32 v27, v20;
	_ =	sdelay $0x1  }
0x2ab: {  	v26 =	vadd.f32 v27, v26;
	_ =	sdelay $0x1  }
0x2ac: {  	[tilespmem:s6+$0x10100] =	vst v26  }
0x2ad: {  	v26 =	vld.idx.msk [tilespmem:v28+s14+$0x0], $0xffff  }
0x2ae: {  	v27 =	vld.idx.msk [tilespmem:v29+s14+$0x0], $0xffff;
	_ =	sdelay $0x4  }
0x2af: {  	v26 =	vmul.f32 v26, v21  }
0x2b0: {  	v28 =	vadd.s32 $0x2A00, v24;
	v29 =	vadd.s32 $0x2A00, v25;
	v27 =	vmul.f32 v27, v20;
	_ =	sdelay $0x1  }
0x2b1: {  	v26 =	vadd.f32 v27, v26;
	_ =	sdelay $0x1  }
0x2b2: {  	[tilespmem:s6+$0x10180] =	vst v26  }
0x2b3: {  	v26 =	vld.idx.msk [tilespmem:v28+s14+$0x0], $0xffff  }
0x2b4: {  	v27 =	vld.idx.msk [tilespmem:v29+s14+$0x0], $0xffff;
	_ =	sdelay $0x4  }
0x2b5: {  	v26 =	vmul.f32 v26, v21  }
0x2b6: {  	v28 =	vadd.s32 $0x2A80, v24;
	v29 =	vadd.s32 $0x2A80, v25;
	v27 =	vmul.f32 v27, v20;
	_ =	sdelay $0x1  }
0x2b7: {  	v26 =	vadd.f32 v27, v26;
	_ =	sdelay $0x1  }
0x2b8: {  	[tilespmem:s6+$0x10200] =	vst v26  }
0x2b9: {  	v26 =	vld.idx.msk [tilespmem:v28+s14+$0x0], $0xffff  }
0x2ba: {  	v27 =	vld.idx.msk [tilespmem:v29+s14+$0x0], $0xffff;
	_ =	sdelay $0x4  }
0x2bb: {  	v26 =	vmul.f32 v26, v21  }
0x2bc: {  	v24 =	vadd.s32 $0x2B00, v24;
	v25 =	vadd.s32 $0x2B00, v25;
	v27 =	vmul.f32 v27, v20;
	_ =	sdelay $0x1  }
0x2bd: {  	v26 =	vadd.f32 v27, v26;
	_ =	sdelay $0x1  }
0x2be: {  	[tilespmem:s6+$0x10280] =	vst v26  }
0x2bf: {  	v26 =	vld.idx.msk [tilespmem:v24+s14+$0x0], $0xffff  }
0x2c0: {  	v24 =	vld.idx.msk [tilespmem:v25+s14+$0x0], $0xffff  }
.Ltmp1:
0x2c1: {  	(pc) =	sbr.rel @p0 .LBB2_5-.Ltmp1, $2  }
0x2c2: {  	_ =	sdelay $0x2  }
0x2c3: {  	v25 =	vmul.f32 v26, v21  }
0x2c4: {  	v19 =	vmul.f32 v24, v20;
	_ =	sdelay $0x1  }
0x2c5: {  	v19 =	vadd.f32 v19, v25;
	_ =	sdelay $0x1  }
0x2c6: {  	[tilespmem:s6+$0x10300] =	vst v19  }
0x2c7: {  	v19 =	vld.idx.msk [tilespmem:v22+s14+$0x0], $0xffff  }
0x2c8: {  	v63 =	vld.idx.msk [tilespmem:v23+s14+$0x0], $0xffff;
	_ =	sdelay $0x3  }
0x2c9: {  	s23 =	sadd.s32 $0x1, s23  }
0x2ca: {  	p0 =	sne.s32 s23, $0x8;
	v19 =	vmul.f32 v19, v21;
	v20 =	vmul.f32 v63, v20  }
.Ltmp2:
0x2cb: {  	_ = 	snop;
	(pc) =	sbr.rel @p0 .LBB2_2-.Ltmp2, $4  }
0x2cc: {  	v19 =	vadd.f32 v20, v19  }
0x2cd: {  	s0 =	sadd.s32 s2, s24  }
0x2ce: {  	s22 =	sadd.s32 $0x1, s22;
	s0 =	sadd.s32 s25, s0;
	[tilespmem:s6+$0x10380] =	vst v19  }
0x2cf: {  	[hbm4b:s0+s15] =	stream.strided.scatter [tilespmem:s18], [sflag:$0x4], $0x4000, s12, s15, $0x38;
	[tilespmem:$0x12C00] =	vst v63  }
0x2d0: {  	s0 =	simm.s32 $0x3  }
0x2d1: {  	_ =	swait.ge [sflag:s0], $0x4000  }
0x2d2: {  	[sflag:s0] =	ssyncset.done $0x0  }
0x2d3: {  	[sflag:s0] =	ssyncadd.s32 $0xFFFFC000  }
0x2d4: {  	_ =	swait.ge [sflag:s20], $0x4000  }
0x2d5: {  	s3 =	rddreg [dreg:$0x7]  }
0x2d6: {  	s31 =	rddreg [dreg:$0x6];
	s3 =	sadd.s32 $0x1, s3  }
0x2d7: {  	p0 =	sne.s32 s3, s31  }
.Ltmp3:
0x2d8: {  	_ = 	snop;
	(pc) =	sbr.rel @p0 .LBB2_1-.Ltmp3, $3  }
0x2d9: {  	_ =	sdelay $0x1  }
0x2da: {  	[sflag:s20] =	ssyncset.done $0x0  }
0x2db: {  	[sflag:s20] =	ssyncadd.s32 $0xFFFFC000  }
0x2dc: {  	_ =	sfence.sel $0x180000  }
0x2dd: {  	[bflag:$0x0] =	sbarrier.arrive $0xFFFF  }
0x2de: {  	_ =	strace $0x90000047  }
0x2df: {  	s0 =	stileid.u32;
	[bflag:$0x2] =	sbarrier.arrive $0xFFFF  }
0x2e0: {  	p0 =	sne.s32 s0, $0x0;
	s0 =	rddreg [dreg:$0x3]  }
0x2e1: {  	s0 =	sadd.s32 @!p0 $0x100000, s0  }
0x2e2: {  	[sflag:s0] =	ssyncadd.tile.s32 @!p0 $0x1;
	_ =	shalt  }
.Lfunc_end2:
_tile_overlayer_lowered:
.L_overlay_start_2:
0x2e3: {  	(tag) =	ssettag $0x2  }
0x2e4: {  	s0 =	rddreg [dreg:$0x0];
	s2 =	stileid.u32  }
0x2e5: {  	s1 =	rddreg [dreg:$0x1];
	p0 =	sne.s32 s2, $0x0  }
0x2e6: {  	s3 =	rddreg [dreg:$0x2];
	[bflag:$0x3] =	sbarrier.arrive $0xFFFF;
	s2 =	simm.s32 @!p0 $0x1C06  }
0x2e7: {  	[timem:s3], [sflag:s2] =	dma.local @!p0 [hbm:s0], s1  }
0x2e8: {  	s0 =	simm.s32 @!p0 $0x6  }
0x2e9: {  	_ =	swait.ge @!p0 [sflag:s0], s1  }
0x2ea: {  	s1 =	ssub.s32 @!p0 $0x0, s1;
	[sflag:s0] =	ssyncset.done @!p0 $0x0  }
0x2eb: {  	[sflag:s0] =	ssyncadd.s32 @!p0 s1  }
0x2ec: {  	[bflag:$0x3] =	sbarrier.arrive $0xFFFF  }
0x2ed: {  	_ =	shalt  }

</sc_bundles>
